<compile_context>
chip_gen: v7x
topology: tpu7x:2x2x1
jax: 0.10.2.dev20260603
libtpu: 0.0.44.dev20260713+nightly
codegen_flags: <defaults>
</compile_context>

<pallas_src>
import functools

import jax
import jax.numpy as jnp
from jax import lax
from jax.experimental import pallas as pl
from jax.experimental.pallas import tpu as pltpu
from jax.experimental.pallas import tpu_sc as plsc

DIM = 64
CAP = 500000
NQ = 32
KK = 8
BLK = 16384
GRID = (CAP + BLK - 1) // BLK

_NEG_INF = float("-inf")
_BIG_F = float(2**25)


def _topk_body(q_ref, kt_ref, scores_out, idx_out, rv_ref, ri_ref, qn_ref):
    t = pl.program_id(0)

    @pl.when(t == 0)
    def _init():
        rv_ref[...] = jnp.full((NQ, KK), _NEG_INF, jnp.float32)
        ri_ref[...] = jnp.full((NQ, KK), _BIG_F, jnp.float32)
        q = q_ref[...]
        qn_ref[...] = q / jnp.maximum(
            jnp.sqrt(jnp.sum(q * q, axis=1, keepdims=True)), 1e-12)

    qn = qn_ref[...]
    kt = kt_ref[...]
    ss = jnp.sum(kt * kt, axis=0, keepdims=True)
    kn = kt / jnp.maximum(jnp.sqrt(ss), 1e-12)
    simn = lax.dot_general(
        qn, kn, (((1,), (0,)), ((), ())),
        preferred_element_type=jnp.float32)

    col = (lax.broadcasted_iota(jnp.int32, (NQ, BLK), 1).astype(jnp.float32)
           + jnp.float32(t * BLK))
    simn = jnp.where(col < float(CAP), simn, _NEG_INF)

    comb_v = jnp.concatenate([rv_ref[...], simn], axis=1)
    comb_i = jnp.concatenate([ri_ref[...], col], axis=1)

    vals, idxs = [], []
    for _ in range(KK):
        m = jnp.max(comb_v, axis=1)
        eq = comb_v == m[:, None]
        ci = jnp.min(jnp.where(eq, comb_i, _BIG_F), axis=1)
        vals.append(m)
        idxs.append(ci)
        comb_v = jnp.where(comb_i == ci[:, None], _NEG_INF, comb_v)
    rv = jnp.stack(vals, axis=1)
    ri = jnp.stack(idxs, axis=1)
    rv_ref[...] = rv
    ri_ref[...] = ri

    @pl.when(t == GRID - 1)
    def _fin():
        scores_out[...] = rv
        idx_out[...] = ri.astype(jnp.int32)


_topk_call = pl.pallas_call(
    _topk_body,
    grid=(GRID,),
    in_specs=[
        pl.BlockSpec((NQ, DIM), lambda t: (0, 0)),
        pl.BlockSpec((DIM, BLK), lambda t: (0, t)),
    ],
    out_specs=[
        pl.BlockSpec((NQ, KK), lambda t: (0, 0)),
        pl.BlockSpec((NQ, KK), lambda t: (0, 0)),
    ],
    out_shape=[
        jax.ShapeDtypeStruct((NQ, KK), jnp.float32),
        jax.ShapeDtypeStruct((NQ, KK), jnp.int32),
    ],
    scratch_shapes=[
        pltpu.VMEM((NQ, KK), jnp.float32),
        pltpu.VMEM((NQ, KK), jnp.float32),
        pltpu.VMEM((NQ, DIM), jnp.float32),
    ],
    compiler_params=pltpu.CompilerParams(
        dimension_semantics=("arbitrary",)),
)



def _kgather_body(jb_ref, jl_ref, kt_ref, out_ref):
    i = pl.program_id(0)

    @pl.when(i % 128 == 0)
    def _zero():
        out_ref[...] = jnp.zeros((DIM, 128), jnp.float32)

    blk = kt_ref[...]
    jl = jl_ref[i]
    lane = lax.broadcasted_iota(jnp.int32, (1, 128), 1)
    colsel = jnp.where(lane == jl, blk, 0.0)
    ss = jnp.sum(colsel * colsel)
    rn = 1.0 / jnp.maximum(jnp.sqrt(ss), 1e-12)
    cvec = jnp.sum(colsel, axis=1, keepdims=True) * rn
    out_ref[...] = out_ref[...] + jnp.where(lane == (i % 128), cvec, 0.0)


_kgather_call = pl.pallas_call(
    _kgather_body,
    grid_spec=pltpu.PrefetchScalarGridSpec(
        num_scalar_prefetch=2,
        grid=(NQ * KK,),
        in_specs=[
            pl.BlockSpec((DIM, 128), lambda i, jb, jl: (0, jb[i])),
        ],
        out_specs=pl.BlockSpec((DIM, 128), lambda i, jb, jl: (0, i // 128)),
    ),
    out_shape=jax.ShapeDtypeStruct((DIM, NQ * KK), jnp.float32),
    compiler_params=pltpu.CompilerParams(
        dimension_semantics=("arbitrary",)),
)


_NC, _NS = 2, 16
_NW = _NC * _NS
ROWS = NQ * KK
RPW = ROWS // _NW


@functools.cache
def _make_sc_gather():
    mesh = plsc.VectorSubcoreMesh(core_axis_name="c", subcore_axis_name="s")

    @functools.partial(
        pl.kernel,
        mesh=mesh,
        out_type=jax.ShapeDtypeStruct((ROWS, DIM), jnp.float32),
        scratch_types=[
            pltpu.VMEM((16,), jnp.int32),
            pltpu.VMEM((16,), jnp.int32),
            pltpu.VMEM((16, 2 * DIM), jnp.float32),
            pltpu.VMEM((RPW, DIM), jnp.float32),
            pltpu.SemaphoreType.DMA,
        ],
        compiler_params=pltpu.CompilerParams(use_tc_tiling_on_sc=True),
    )
    def _sc_gather(v2_hbm, idx_hbm, outv_hbm, idx16, slb, vsl, vrows, sem):
        wid = lax.axis_index("s") * _NC + lax.axis_index("c")
        base = wid * RPW
        pltpu.sync_copy(idx_hbm.at[pl.ds(base, RPW)], idx16.at[pl.ds(0, RPW)])
        iv = jnp.minimum(jnp.maximum(idx16[...], 0), CAP - 1)
        par = iv & 1
        slb[...] = iv >> 1

        pltpu.async_copy(v2_hbm.at[slb], vsl, sem).wait()

        dn_b = lax.GatherDimensionNumbers(
            offset_dims=(), collapsed_slice_dims=(0,), start_index_map=(0,))
        for r in range(RPW):
            pv = lax.gather(
                par, jnp.full((16, 1), r, jnp.int32), dn_b, slice_sizes=(1,),
                mode=lax.GatherScatterMode.PROMISE_IN_BOUNDS)
            e = pv.astype(jnp.float32)
            ne = 1.0 - e
            for c in range(DIM // 16):
                lo = vsl[r, pl.ds(c * 16, 16)]
                hi = vsl[r, pl.ds(DIM + c * 16, 16)]
                vrows[r, pl.ds(c * 16, 16)] = lo * ne + hi * e

        pltpu.sync_copy(vrows, outv_hbm.at[pl.ds(base, RPW)])

    return _sc_gather


@functools.cache
def _make_sc_prewarm():
    mesh = plsc.VectorSubcoreMesh(core_axis_name="c", subcore_axis_name="s")

    @functools.partial(
        pl.kernel,
        mesh=mesh,
        out_type=jax.ShapeDtypeStruct((16,), jnp.float32),
        scratch_types=[
            pltpu.VMEM((1, 2 * DIM), jnp.float32),
            pltpu.VMEM((16,), jnp.float32),
            pltpu.SemaphoreType.DMA,
        ],
        compiler_params=pltpu.CompilerParams(use_tc_tiling_on_sc=True),
    )
    def _sc_prewarm(v_hbm, out_hbm, vr, acc, sem):
        wid = lax.axis_index("s") * _NC + lax.axis_index("c")

        @pl.when(wid == 0)
        def _():
            pltpu.async_copy(v_hbm.at[pl.ds(0, 1)], vr, sem).wait()
            acc[...] = vr[0, pl.ds(0, 16)]
            pltpu.sync_copy(acc, out_hbm)

    return _sc_prewarm


def kernel(k, v, query, top_k):
    del top_k
    kt = jnp.swapaxes(k, 0, 1)
    v2 = v.reshape(CAP // 2, 2 * DIM)
    warm = _make_sc_prewarm()(v2)
    scores, idx = _topk_call(query, kt)
    idx = lax.optimization_barrier((idx, warm))[0]
    idxf = idx.reshape(-1)
    outv = _make_sc_gather()(v2, idxf)
    outk_t = _kgather_call(idxf // 128, idxf % 128, kt)
    outk = jnp.swapaxes(outk_t, 0, 1)
    return (outk.reshape(NQ, KK, DIM),
            outv.reshape(NQ, KK, DIM),
            scores)

# --- scband reference (transcript-rebuilt; emitter-appended) ---
"""Pipeline reference for scband-episodic-memory-4793183502804 (READ-ONLY COPY).

The authoritative reference and input builder live on the scoring server;
editing this copy changes nothing except your own understanding.
"""

import jax, jax.numpy as jnp
import numpy as np

DIM = 64
CAPACITY = 500000
Q = 32
TOP_K = 8


def _normalize(x, eps=1e-12):
    # matches torch F.normalize(x, dim=-1): x / max(||x||, eps)
    n = jnp.linalg.norm(x, axis=-1, keepdims=True)
    return x / jnp.maximum(n, eps)


def setup_inputs(seed: int = 0) -> dict:
    key = jax.random.key(seed)
    k1, k2, k3 = jax.random.split(key, 3)
    return {
        "k": jax.random.normal(k1, (CAPACITY, DIM), dtype=jnp.float32),
        "v": jax.random.normal(k2, (CAPACITY, DIM), dtype=jnp.float32),
        "query": jax.random.normal(k3, (Q, DIM), dtype=jnp.float32),
        "top_k": TOP_K,
    }


def reference(k, v, query, top_k):
    # --- write(k, v): dense_mode=False, storage fp32, batch_size == capacity
    # => keys.copy_(normalize(k)), values.copy_(v), ptr=0, is_full=True
    k_store = _normalize(k)
    keys = k_store
    values = v

    # --- read(query, top_k): is_full=True, max_scan=None => scan all capacity
    q_norm = _normalize(query)
    sim = jnp.matmul(q_norm, keys.T)  # [Q, CAPACITY]
    kk = min(TOP_K, keys.shape[0])
    scores, indices = jax.lax.top_k(sim, kk)  # [Q, kk]
    top_k_arr = jnp.asarray(top_k)
    indices = indices + (top_k_arr - top_k_arr).astype(indices.dtype)
    retrieved_keys = jnp.take(keys, indices, axis=0)      # [Q, kk, DIM]
    retrieved_values = jnp.take(values, indices, axis=0)  # [Q, kk, DIM]
    # dense_mode=False => decompress is identity
    return retrieved_keys, retrieved_values, scores

if __name__ == "__main__":
    import jax
    _d = setup_inputs()
    print(jax.jit(kernel)(*tuple(_d.values())))

</pallas_src>

<mosaic_0001>
#map = affine_map<(d0, d1) -> (0, 0)>
#map1 = affine_map<(d0, d1) -> (0)>
module attributes {stable_mosaic.version = 14 : i64} {
  func.func @_sc_gather(%arg0: i32, %arg1: i32, %arg2: memref<250000x128xf32, #tpu.memory_space<hbm>>, %arg3: memref<256xi32, #tpu.memory_space<hbm>>, %arg4: memref<256x64xf32, #tpu.memory_space<hbm>>, %arg5: memref<16xi32, #tpu.memory_space<vmem>>, %arg6: memref<16xi32, #tpu.memory_space<vmem>>, %arg7: memref<16x128xf32, #tpu.memory_space<vmem>>, %arg8: memref<8x64xf32, #tpu.memory_space<vmem>>, %arg9: memref<!tpu.dma_semaphore, #tpu.memory_space<semaphore_mem>>) attributes {dimension_semantics = [#tpu.dimension_semantics<core_parallel>, #tpu.dimension_semantics<subcore_parallel>], iteration_bounds = array<i64: 2, 16>, scalar_prefetch = 0 : i64, scratch_operands = 5 : i64, tpu.core_type = #tpu.core_type<sc_vector_subcore>, window_params = [{transform_indices = #map}, {transform_indices = #map1}, {transform_indices = #map}]} {
    %mul3A = arith.constant 2 : i32
    %mul3A_0 = arith.muli %arg1, %mul3A : i32
    %add3A = arith.addi %mul3A_0, %arg0 : i32
    %mul3A_1 = arith.constant 8 : i32
    %mul3A_2 = arith.muli %add3A, %mul3A_1 : i32
    "tpu.region"() ({
      %run_scoped3A = tpu.sem_alloc : memref<!tpu.dma_semaphore, #tpu.memory_space<semaphore_mem>>
      %dma_start3A_688 = arith.constant 0 : i32
      %dma_start3A_689 = tpu.memref_slice %arg5[%dma_start3A_688] : memref<16xi32, #tpu.memory_space<vmem>> -> memref<8xi32, #tpu.memory_space<vmem>>
      %dma_start3A_690 = tpu.memref_slice %arg3[%mul3A_2] : memref<256xi32, #tpu.memory_space<hbm>> -> memref<8xi32, #tpu.memory_space<hbm>>
      %dma_start3A_691 = arith.constant 0 : i32
      %dma_start3A_692 = tpu.memref_slice %arg5[%dma_start3A_691] : memref<16xi32, #tpu.memory_space<vmem>> -> memref<8xi32, #tpu.memory_space<vmem>>
      %dma_start3A_693 = tpu.memref_slice %arg3[%mul3A_2] : memref<256xi32, #tpu.memory_space<hbm>> -> memref<8xi32, #tpu.memory_space<hbm>>
      tpu.enqueue_dma source(%dma_start3A_693 : memref<8xi32, #tpu.memory_space<hbm>>) target(%dma_start3A_692 : memref<8xi32, #tpu.memory_space<vmem>>) target_semaphore(%run_scoped3A : memref<!tpu.dma_semaphore, #tpu.memory_space<semaphore_mem>>)
      %dma_wait3A_694 = arith.constant 0 : i32
      %dma_wait3A_695 = tpu.memref_slice %arg5[%dma_wait3A_694] : memref<16xi32, #tpu.memory_space<vmem>> -> memref<8xi32, #tpu.memory_space<vmem>>
      %dma_wait3A_696 = tpu.memref_slice %arg3[%mul3A_2] : memref<256xi32, #tpu.memory_space<hbm>> -> memref<8xi32, #tpu.memory_space<hbm>>
      %dma_wait3A_697 = arith.constant 0 : i32
      %dma_wait3A_698 = tpu.memref_slice %arg5[%dma_wait3A_697] : memref<16xi32, #tpu.memory_space<vmem>> -> memref<8xi32, #tpu.memory_space<vmem>>
      %dma_wait3A_699 = tpu.memref_slice %arg3[%mul3A_2] : memref<256xi32, #tpu.memory_space<hbm>> -> memref<8xi32, #tpu.memory_space<hbm>>
      tpu.wait_dma2 semaphore(%run_scoped3A : memref<!tpu.dma_semaphore, #tpu.memory_space<semaphore_mem>>) src(%dma_wait3A_699 : memref<8xi32, #tpu.memory_space<hbm>>) dst(%dma_wait3A_698 : memref<8xi32, #tpu.memory_space<vmem>>)
      tpu.yield
    }) : () -> ()
    %get3A = arith.constant 0 : index
    %get3A_3 = tpu.vector_load %arg5[%get3A] {strides = array<i32>} : memref<16xi32, #tpu.memory_space<vmem>>, vector<16xi32>,
    %get3A_4 = vector.shape_cast %get3A_3 : vector<16xi32> to vector<16xi32>
    %max3A = arith.constant 0 : i32
    %max3A_5 = vector.broadcast %max3A : i32 to vector<16xi32>
    %max3A_6 = arith.maxsi %get3A_4, %max3A_5 : vector<16xi32>
    %min3A = arith.constant 499999 : i32
    %min3A_7 = vector.broadcast %min3A : i32 to vector<16xi32>
    %min3A_8 = arith.minsi %max3A_6, %min3A_7 : vector<16xi32>
    %and3A = arith.constant 1 : i32
    %and3A_9 = vector.broadcast %and3A : i32 to vector<16xi32>
    %and3A_10 = arith.andi %min3A_8, %and3A_9 : vector<16xi32>
    %shift_right_arithmetic3A = arith.constant 1 : i32
    %shift_right_arithmetic3A_11 = vector.broadcast %shift_right_arithmetic3A : i32 to vector<16xi32>
    %shift_right_arithmetic3A_12 = arith.shrsi %min3A_8, %shift_right_arithmetic3A_11 : vector<16xi32>
    %swap3A = arith.constant 0 : index
    %swap3A_13 = tpu.vector_load %arg6[%swap3A] {strides = array<i32>} : memref<16xi32, #tpu.memory_space<vmem>>, vector<16xi32>,
    %swap3A_14 = vector.shape_cast %swap3A_13 : vector<16xi32> to vector<16xi32>
    %swap3A_15 = vector.shape_cast %shift_right_arithmetic3A_12 : vector<16xi32> to vector<16xi32>
    tpu.vector_store %arg6[%swap3A], %swap3A_15 {strides = array<i32>} : memref<16xi32, #tpu.memory_space<vmem>>, vector<16xi32>,
    %dma_start3A = arith.constant 0 : i32
    %dma_start3A_16 = arith.constant 0 : i32
    %dma_start3A_17 = tpu.memref_slice %arg2[%dma_start3A, %dma_start3A_16] : memref<250000x128xf32, #tpu.memory_space<hbm>> -> memref<250000x128xf32, #tpu.memory_space<hbm>>
    tpu.enqueue_indirect_dma source(%dma_start3A_17 : memref<250000x128xf32, #tpu.memory_space<hbm>>) target(%arg7 : memref<16x128xf32, #tpu.memory_space<vmem>>) offsets(%arg6 : memref<16xi32, #tpu.memory_space<vmem>>) semaphore(%arg9 : memref<!tpu.dma_semaphore, #tpu.memory_space<semaphore_mem>>)
    %dma_wait3A = arith.constant 0 : i32
    %dma_wait3A_18 = arith.constant 0 : i32
    %dma_wait3A_19 = tpu.memref_slice %arg2[%dma_wait3A, %dma_wait3A_18] : memref<250000x128xf32, #tpu.memory_space<hbm>> -> memref<250000x128xf32, #tpu.memory_space<hbm>>
    tpu.wait_indirect_dma semaphore(%arg9 : memref<!tpu.dma_semaphore, #tpu.memory_space<semaphore_mem>>) src(%dma_wait3A_19 : memref<250000x128xf32, #tpu.memory_space<hbm>>) dst(%arg7 : memref<16x128xf32, #tpu.memory_space<vmem>>)
    %broadcast_in_dim3A = arith.constant 0 : i32
    %broadcast_in_dim3A_20 = vector.broadcast %broadcast_in_dim3A : i32 to vector<16x1xi32>
    %gather3A = vector.shape_cast %broadcast_in_dim3A_20 : vector<16x1xi32> to vector<16xi32>
    %gather3A_21 = tpu.dynamic_gather %and3A_10[%gather3A] in [0] : vector<16xi32>, vector<16xi32> -> vector<16xi32>
    %convert_element_type3A = arith.sitofp %gather3A_21 : vector<16xi32> to vector<16xf32>
    %sub3A = arith.constant 1.000000e+00 : f32
    %sub3A_22 = vector.broadcast %sub3A : f32 to vector<16xf32>
    %sub3A_23 = arith.subf %sub3A_22, %convert_element_type3A : vector<16xf32>
    %get3A_24 = arith.constant 0 : i32
    %get3A_25 = arith.index_cast %get3A_24 : i32 to index
    %get3A_26 = arith.constant 0 : index
    %get3A_27 = tpu.vector_load %arg7[%get3A_25, %get3A_26] {strides = array<i32>} : memref<16x128xf32, #tpu.memory_space<vmem>>, vector<1x16xf32>,
    %get3A_28 = vector.shape_cast %get3A_27 : vector<1x16xf32> to vector<16xf32>
    %get3A_29 = arith.constant 0 : i32
    %get3A_30 = arith.index_cast %get3A_29 : i32 to index
    %get3A_31 = arith.constant 64 : index
    %get3A_32 = tpu.vector_load %arg7[%get3A_30, %get3A_31] {strides = array<i32>} : memref<16x128xf32, #tpu.memory_space<vmem>>, vector<1x16xf32>,
    %get3A_33 = vector.shape_cast %get3A_32 : vector<1x16xf32> to vector<16xf32>
    %mul3A_34 = arith.mulf %get3A_28, %sub3A_23 : vector<16xf32>
    %mul3A_35 = arith.mulf %get3A_33, %convert_element_type3A : vector<16xf32>
    %add3A_36 = arith.addf %mul3A_34, %mul3A_35 : vector<16xf32>
    %swap3A_37 = arith.constant 0 : i32
    %swap3A_38 = arith.index_cast %swap3A_37 : i32 to index
    %swap3A_39 = arith.constant 0 : index
    %swap3A_40 = tpu.vector_load %arg8[%swap3A_38, %swap3A_39] {strides = array<i32>} : memref<8x64xf32, #tpu.memory_space<vmem>>, vector<1x16xf32>,
    %swap3A_41 = vector.shape_cast %swap3A_40 : vector<1x16xf32> to vector<16xf32>
    %swap3A_42 = vector.shape_cast %add3A_36 : vector<16xf32> to vector<1x16xf32>
    tpu.vector_store %arg8[%swap3A_38, %swap3A_39], %swap3A_42 {strides = array<i32>} : memref<8x64xf32, #tpu.memory_space<vmem>>, vector<1x16xf32>,
    %get3A_43 = arith.constant 0 : i32
    %get3A_44 = arith.index_cast %get3A_43 : i32 to index
    %get3A_45 = arith.constant 16 : index
    %get3A_46 = tpu.vector_load %arg7[%get3A_44, %get3A_45] {strides = array<i32>} : memref<16x128xf32, #tpu.memory_space<vmem>>, vector<1x16xf32>,
    %get3A_47 = vector.shape_cast %get3A_46 : vector<1x16xf32> to vector<16xf32>
    %get3A_48 = arith.constant 0 : i32
    %get3A_49 = arith.index_cast %get3A_48 : i32 to index
    %get3A_50 = arith.constant 80 : index
    %get3A_51 = tpu.vector_load %arg7[%get3A_49, %get3A_50] {strides = array<i32>} : memref<16x128xf32, #tpu.memory_space<vmem>>, vector<1x16xf32>,
    %get3A_52 = vector.shape_cast %get3A_51 : vector<1x16xf32> to vector<16xf32>
    %mul3A_53 = arith.mulf %get3A_47, %sub3A_23 : vector<16xf32>
    %mul3A_54 = arith.mulf %get3A_52, %convert_element_type3A : vector<16xf32>
    %add3A_55 = arith.addf %mul3A_53, %mul3A_54 : vector<16xf32>
    %swap3A_56 = arith.constant 0 : i32
    %swap3A_57 = arith.index_cast %swap3A_56 : i32 to index
    %swap3A_58 = arith.constant 16 : index
    %swap3A_59 = tpu.vector_load %arg8[%swap3A_57, %swap3A_58] {strides = array<i32>} : memref<8x64xf32, #tpu.memory_space<vmem>>, vector<1x16xf32>,
    %swap3A_60 = vector.shape_cast %swap3A_59 : vector<1x16xf32> to vector<16xf32>
    %swap3A_61 = vector.shape_cast %add3A_55 : vector<16xf32> to vector<1x16xf32>
    tpu.vector_store %arg8[%swap3A_57, %swap3A_58], %swap3A_61 {strides = array<i32>} : memref<8x64xf32, #tpu.memory_space<vmem>>, vector<1x16xf32>,
    %get3A_62 = arith.constant 0 : i32
    %get3A_63 = arith.index_cast %get3A_62 : i32 to index
    %get3A_64 = arith.constant 32 : index
    %get3A_65 = tpu.vector_load %arg7[%get3A_63, %get3A_64] {strides = array<i32>} : memref<16x128xf32, #tpu.memory_space<vmem>>, vector<1x16xf32>,
    %get3A_66 = vector.shape_cast %get3A_65 : vector<1x16xf32> to vector<16xf32>
    %get3A_67 = arith.constant 0 : i32
    %get3A_68 = arith.index_cast %get3A_67 : i32 to index
    %get3A_69 = arith.constant 96 : index
    %get3A_70 = tpu.vector_load %arg7[%get3A_68, %get3A_69] {strides = array<i32>} : memref<16x128xf32, #tpu.memory_space<vmem>>, vector<1x16xf32>,
    %get3A_71 = vector.shape_cast %get3A_70 : vector<1x16xf32> to vector<16xf32>
    %mul3A_72 = arith.mulf %get3A_66, %sub3A_23 : vector<16xf32>
    %mul3A_73 = arith.mulf %get3A_71, %convert_element_type3A : vector<16xf32>
    %add3A_74 = arith.addf %mul3A_72, %mul3A_73 : vector<16xf32>
    %swap3A_75 = arith.constant 0 : i32
    %swap3A_76 = arith.index_cast %swap3A_75 : i32 to index
    %swap3A_77 = arith.constant 32 : index
    %swap3A_78 = tpu.vector_load %arg8[%swap3A_76, %swap3A_77] {strides = array<i32>} : memref<8x64xf32, #tpu.memory_space<vmem>>, vector<1x16xf32>,
    %swap3A_79 = vector.shape_cast %swap3A_78 : vector<1x16xf32> to vector<16xf32>
    %swap3A_80 = vector.shape_cast %add3A_74 : vector<16xf32> to vector<1x16xf32>
    tpu.vector_store %arg8[%swap3A_76, %swap3A_77], %swap3A_80 {strides = array<i32>} : memref<8x64xf32, #tpu.memory_space<vmem>>, vector<1x16xf32>,
    %get3A_81 = arith.constant 0 : i32
    %get3A_82 = arith.index_cast %get3A_81 : i32 to index
    %get3A_83 = arith.constant 48 : index
    %get3A_84 = tpu.vector_load %arg7[%get3A_82, %get3A_83] {strides = array<i32>} : memref<16x128xf32, #tpu.memory_space<vmem>>, vector<1x16xf32>,
    %get3A_85 = vector.shape_cast %get3A_84 : vector<1x16xf32> to vector<16xf32>
    %get3A_86 = arith.constant 0 : i32
    %get3A_87 = arith.index_cast %get3A_86 : i32 to index
    %get3A_88 = arith.constant 112 : index
    %get3A_89 = tpu.vector_load %arg7[%get3A_87, %get3A_88] {strides = array<i32>} : memref<16x128xf32, #tpu.memory_space<vmem>>, vector<1x16xf32>,
    %get3A_90 = vector.shape_cast %get3A_89 : vector<1x16xf32> to vector<16xf32>
    %mul3A_91 = arith.mulf %get3A_85, %sub3A_23 : vector<16xf32>
    %mul3A_92 = arith.mulf %get3A_90, %convert_element_type3A : vector<16xf32>
    %add3A_93 = arith.addf %mul3A_91, %mul3A_92 : vector<16xf32>
    %swap3A_94 = arith.constant 0 : i32
    %swap3A_95 = arith.index_cast %swap3A_94 : i32 to index
    %swap3A_96 = arith.constant 48 : index
    %swap3A_97 = tpu.vector_load %arg8[%swap3A_95, %swap3A_96] {strides = array<i32>} : memref<8x64xf32, #tpu.memory_space<vmem>>, vector<1x16xf32>,
    %swap3A_98 = vector.shape_cast %swap3A_97 : vector<1x16xf32> to vector<16xf32>
    %swap3A_99 = vector.shape_cast %add3A_93 : vector<16xf32> to vector<1x16xf32>
    tpu.vector_store %arg8[%swap3A_95, %swap3A_96], %swap3A_99 {strides = array<i32>} : memref<8x64xf32, #tpu.memory_space<vmem>>, vector<1x16xf32>,
    %broadcast_in_dim3A_100 = arith.constant 1 : i32
    %broadcast_in_dim3A_101 = vector.broadcast %broadcast_in_dim3A_100 : i32 to vector<16x1xi32>
    %gather3A_102 = vector.shape_cast %broadcast_in_dim3A_101 : vector<16x1xi32> to vector<16xi32>
    %gather3A_103 = tpu.dynamic_gather %and3A_10[%gather3A_102] in [0] : vector<16xi32>, vector<16xi32> -> vector<16xi32>
    %convert_element_type3A_104 = arith.sitofp %gather3A_103 : vector<16xi32> to vector<16xf32>
    %sub3A_105 = arith.constant 1.000000e+00 : f32
    %sub3A_106 = vector.broadcast %sub3A_105 : f32 to vector<16xf32>
    %sub3A_107 = arith.subf %sub3A_106, %convert_element_type3A_104 : vector<16xf32>
    %get3A_108 = arith.constant 1 : i32
    %get3A_109 = arith.index_cast %get3A_108 : i32 to index
    %get3A_110 = arith.constant 0 : index
    %get3A_111 = tpu.vector_load %arg7[%get3A_109, %get3A_110] {strides = array<i32>} : memref<16x128xf32, #tpu.memory_space<vmem>>, vector<1x16xf32>,
    %get3A_112 = vector.shape_cast %get3A_111 : vector<1x16xf32> to vector<16xf32>
    %get3A_113 = arith.constant 1 : i32
    %get3A_114 = arith.index_cast %get3A_113 : i32 to index
    %get3A_115 = arith.constant 64 : index
    %get3A_116 = tpu.vector_load %arg7[%get3A_114, %get3A_115] {strides = array<i32>} : memref<16x128xf32, #tpu.memory_space<vmem>>, vector<1x16xf32>,
    %get3A_117 = vector.shape_cast %get3A_116 : vector<1x16xf32> to vector<16xf32>
    %mul3A_118 = arith.mulf %get3A_112, %sub3A_107 : vector<16xf32>
    %mul3A_119 = arith.mulf %get3A_117, %convert_element_type3A_104 : vector<16xf32>
    %add3A_120 = arith.addf %mul3A_118, %mul3A_119 : vector<16xf32>
    %swap3A_121 = arith.constant 1 : i32
    %swap3A_122 = arith.index_cast %swap3A_121 : i32 to index
    %swap3A_123 = arith.constant 0 : index
    %swap3A_124 = tpu.vector_load %arg8[%swap3A_122, %swap3A_123] {strides = array<i32>} : memref<8x64xf32, #tpu.memory_space<vmem>>, vector<1x16xf32>,
    %swap3A_125 = vector.shape_cast %swap3A_124 : vector<1x16xf32> to vector<16xf32>
    %swap3A_126 = vector.shape_cast %add3A_120 : vector<16xf32> to vector<1x16xf32>
    tpu.vector_store %arg8[%swap3A_122, %swap3A_123], %swap3A_126 {strides = array<i32>} : memref<8x64xf32, #tpu.memory_space<vmem>>, vector<1x16xf32>,
    %get3A_127 = arith.constant 1 : i32
    %get3A_128 = arith.index_cast %get3A_127 : i32 to index
    %get3A_129 = arith.constant 16 : index
    %get3A_130 = tpu.vector_load %arg7[%get3A_128, %get3A_129] {strides = array<i32>} : memref<16x128xf32, #tpu.memory_space<vmem>>, vector<1x16xf32>,
    %get3A_131 = vector.shape_cast %get3A_130 : vector<1x16xf32> to vector<16xf32>
    %get3A_132 = arith.constant 1 : i32
    %get3A_133 = arith.index_cast %get3A_132 : i32 to index
    %get3A_134 = arith.constant 80 : index
    %get3A_135 = tpu.vector_load %arg7[%get3A_133, %get3A_134] {strides = array<i32>} : memref<16x128xf32, #tpu.memory_space<vmem>>, vector<1x16xf32>,
    %get3A_136 = vector.shape_cast %get3A_135 : vector<1x16xf32> to vector<16xf32>
    %mul3A_137 = arith.mulf %get3A_131, %sub3A_107 : vector<16xf32>
    %mul3A_138 = arith.mulf %get3A_136, %convert_element_type3A_104 : vector<16xf32>
    %add3A_139 = arith.addf %mul3A_137, %mul3A_138 : vector<16xf32>
    %swap3A_140 = arith.constant 1 : i32
    %swap3A_141 = arith.index_cast %swap3A_140 : i32 to index
    %swap3A_142 = arith.constant 16 : index
    %swap3A_143 = tpu.vector_load %arg8[%swap3A_141, %swap3A_142] {strides = array<i32>} : memref<8x64xf32, #tpu.memory_space<vmem>>, vector<1x16xf32>,
    %swap3A_144 = vector.shape_cast %swap3A_143 : vector<1x16xf32> to vector<16xf32>
    %swap3A_145 = vector.shape_cast %add3A_139 : vector<16xf32> to vector<1x16xf32>
    tpu.vector_store %arg8[%swap3A_141, %swap3A_142], %swap3A_145 {strides = array<i32>} : memref<8x64xf32, #tpu.memory_space<vmem>>, vector<1x16xf32>,
    %get3A_146 = arith.constant 1 : i32
    %get3A_147 = arith.index_cast %get3A_146 : i32 to index
    %get3A_148 = arith.constant 32 : index
    %get3A_149 = tpu.vector_load %arg7[%get3A_147, %get3A_148] {strides = array<i32>} : memref<16x128xf32, #tpu.memory_space<vmem>>, vector<1x16xf32>,
    %get3A_150 = vector.shape_cast %get3A_149 : vector<1x16xf32> to vector<16xf32>
    %get3A_151 = arith.constant 1 : i32
    %get3A_152 = arith.index_cast %get3A_151 : i32 to index
    %get3A_153 = arith.constant 96 : index
    %get3A_154 = tpu.vector_load %arg7[%get3A_152, %get3A_153] {strides = array<i32>} : memref<16x128xf32, #tpu.memory_space<vmem>>, vector<1x16xf32>,
    %get3A_155 = vector.shape_cast %get3A_154 : vector<1x16xf32> to vector<16xf32>
    %mul3A_156 = arith.mulf %get3A_150, %sub3A_107 : vector<16xf32>
    %mul3A_157 = arith.mulf %get3A_155, %convert_element_type3A_104 : vector<16xf32>
    %add3A_158 = arith.addf %mul3A_156, %mul3A_157 : vector<16xf32>
    %swap3A_159 = arith.constant 1 : i32
    %swap3A_160 = arith.index_cast %swap3A_159 : i32 to index
    %swap3A_161 = arith.constant 32 : index
    %swap3A_162 = tpu.vector_load %arg8[%swap3A_160, %swap3A_161] {strides = array<i32>} : memref<8x64xf32, #tpu.memory_space<vmem>>, vector<1x16xf32>,
    %swap3A_163 = vector.shape_cast %swap3A_162 : vector<1x16xf32> to vector<16xf32>
    %swap3A_164 = vector.shape_cast %add3A_158 : vector<16xf32> to vector<1x16xf32>
    tpu.vector_store %arg8[%swap3A_160, %swap3A_161], %swap3A_164 {strides = array<i32>} : memref<8x64xf32, #tpu.memory_space<vmem>>, vector<1x16xf32>,
    %get3A_165 = arith.constant 1 : i32
    %get3A_166 = arith.index_cast %get3A_165 : i32 to index
    %get3A_167 = arith.constant 48 : index
    %get3A_168 = tpu.vector_load %arg7[%get3A_166, %get3A_167] {strides = array<i32>} : memref<16x128xf32, #tpu.memory_space<vmem>>, vector<1x16xf32>,
    %get3A_169 = vector.shape_cast %get3A_168 : vector<1x16xf32> to vector<16xf32>
    %get3A_170 = arith.constant 1 : i32
    %get3A_171 = arith.index_cast %get3A_170 : i32 to index
    %get3A_172 = arith.constant 112 : index
    %get3A_173 = tpu.vector_load %arg7[%get3A_171, %get3A_172] {strides = array<i32>} : memref<16x128xf32, #tpu.memory_space<vmem>>, vector<1x16xf32>,
    %get3A_174 = vector.shape_cast %get3A_173 : vector<1x16xf32> to vector<16xf32>
    %mul3A_175 = arith.mulf %get3A_169, %sub3A_107 : vector<16xf32>
    %mul3A_176 = arith.mulf %get3A_174, %convert_element_type3A_104 : vector<16xf32>
    %add3A_177 = arith.addf %mul3A_175, %mul3A_176 : vector<16xf32>
    %swap3A_178 = arith.constant 1 : i32
    %swap3A_179 = arith.index_cast %swap3A_178 : i32 to index
    %swap3A_180 = arith.constant 48 : index
    %swap3A_181 = tpu.vector_load %arg8[%swap3A_179, %swap3A_180] {strides = array<i32>} : memref<8x64xf32, #tpu.memory_space<vmem>>, vector<1x16xf32>,
    %swap3A_182 = vector.shape_cast %swap3A_181 : vector<1x16xf32> to vector<16xf32>
    %swap3A_183 = vector.shape_cast %add3A_177 : vector<16xf32> to vector<1x16xf32>
    tpu.vector_store %arg8[%swap3A_179, %swap3A_180], %swap3A_183 {strides = array<i32>} : memref<8x64xf32, #tpu.memory_space<vmem>>, vector<1x16xf32>,
    %broadcast_in_dim3A_184 = arith.constant 2 : i32
    %broadcast_in_dim3A_185 = vector.broadcast %broadcast_in_dim3A_184 : i32 to vector<16x1xi32>
    %gather3A_186 = vector.shape_cast %broadcast_in_dim3A_185 : vector<16x1xi32> to vector<16xi32>
    %gather3A_187 = tpu.dynamic_gather %and3A_10[%gather3A_186] in [0] : vector<16xi32>, vector<16xi32> -> vector<16xi32>
    %convert_element_type3A_188 = arith.sitofp %gather3A_187 : vector<16xi32> to vector<16xf32>
    %sub3A_189 = arith.constant 1.000000e+00 : f32
    %sub3A_190 = vector.broadcast %sub3A_189 : f32 to vector<16xf32>
    %sub3A_191 = arith.subf %sub3A_190, %convert_element_type3A_188 : vector<16xf32>
    %get3A_192 = arith.constant 2 : i32
    %get3A_193 = arith.index_cast %get3A_192 : i32 to index
    %get3A_194 = arith.constant 0 : index
    %get3A_195 = tpu.vector_load %arg7[%get3A_193, %get3A_194] {strides = array<i32>} : memref<16x128xf32, #tpu.memory_space<vmem>>, vector<1x16xf32>,
    %get3A_196 = vector.shape_cast %get3A_195 : vector<1x16xf32> to vector<16xf32>
    %get3A_197 = arith.constant 2 : i32
    %get3A_198 = arith.index_cast %get3A_197 : i32 to index
    %get3A_199 = arith.constant 64 : index
    %get3A_200 = tpu.vector_load %arg7[%get3A_198, %get3A_199] {strides = array<i32>} : memref<16x128xf32, #tpu.memory_space<vmem>>, vector<1x16xf32>,
    %get3A_201 = vector.shape_cast %get3A_200 : vector<1x16xf32> to vector<16xf32>
    %mul3A_202 = arith.mulf %get3A_196, %sub3A_191 : vector<16xf32>
    %mul3A_203 = arith.mulf %get3A_201, %convert_element_type3A_188 : vector<16xf32>
    %add3A_204 = arith.addf %mul3A_202, %mul3A_203 : vector<16xf32>
    %swap3A_205 = arith.constant 2 : i32
    %swap3A_206 = arith.index_cast %swap3A_205 : i32 to index
    %swap3A_207 = arith.constant 0 : index
    %swap3A_208 = tpu.vector_load %arg8[%swap3A_206, %swap3A_207] {strides = array<i32>} : memref<8x64xf32, #tpu.memory_space<vmem>>, vector<1x16xf32>,
    %swap3A_209 = vector.shape_cast %swap3A_208 : vector<1x16xf32> to vector<16xf32>
    %swap3A_210 = vector.shape_cast %add3A_204 : vector<16xf32> to vector<1x16xf32>
    tpu.vector_store %arg8[%swap3A_206, %swap3A_207], %swap3A_210 {strides = array<i32>} : memref<8x64xf32, #tpu.memory_space<vmem>>, vector<1x16xf32>,
    %get3A_211 = arith.constant 2 : i32
    %get3A_212 = arith.index_cast %get3A_211 : i32 to index
    %get3A_213 = arith.constant 16 : index
    %get3A_214 = tpu.vector_load %arg7[%get3A_212, %get3A_213] {strides = array<i32>} : memref<16x128xf32, #tpu.memory_space<vmem>>, vector<1x16xf32>,
    %get3A_215 = vector.shape_cast %get3A_214 : vector<1x16xf32> to vector<16xf32>
    %get3A_216 = arith.constant 2 : i32
    %get3A_217 = arith.index_cast %get3A_216 : i32 to index
    %get3A_218 = arith.constant 80 : index
    %get3A_219 = tpu.vector_load %arg7[%get3A_217, %get3A_218] {strides = array<i32>} : memref<16x128xf32, #tpu.memory_space<vmem>>, vector<1x16xf32>,
    %get3A_220 = vector.shape_cast %get3A_219 : vector<1x16xf32> to vector<16xf32>
    %mul3A_221 = arith.mulf %get3A_215, %sub3A_191 : vector<16xf32>
    %mul3A_222 = arith.mulf %get3A_220, %convert_element_type3A_188 : vector<16xf32>
    %add3A_223 = arith.addf %mul3A_221, %mul3A_222 : vector<16xf32>
    %swap3A_224 = arith.constant 2 : i32
    %swap3A_225 = arith.index_cast %swap3A_224 : i32 to index
    %swap3A_226 = arith.constant 16 : index
    %swap3A_227 = tpu.vector_load %arg8[%swap3A_225, %swap3A_226] {strides = array<i32>} : memref<8x64xf32, #tpu.memory_space<vmem>>, vector<1x16xf32>,
    %swap3A_228 = vector.shape_cast %swap3A_227 : vector<1x16xf32> to vector<16xf32>
    %swap3A_229 = vector.shape_cast %add3A_223 : vector<16xf32> to vector<1x16xf32>
    tpu.vector_store %arg8[%swap3A_225, %swap3A_226], %swap3A_229 {strides = array<i32>} : memref<8x64xf32, #tpu.memory_space<vmem>>, vector<1x16xf32>,
    %get3A_230 = arith.constant 2 : i32
    %get3A_231 = arith.index_cast %get3A_230 : i32 to index
    %get3A_232 = arith.constant 32 : index
    %get3A_233 = tpu.vector_load %arg7[%get3A_231, %get3A_232] {strides = array<i32>} : memref<16x128xf32, #tpu.memory_space<vmem>>, vector<1x16xf32>,
    %get3A_234 = vector.shape_cast %get3A_233 : vector<1x16xf32> to vector<16xf32>
    %get3A_235 = arith.constant 2 : i32
    %get3A_236 = arith.index_cast %get3A_235 : i32 to index
    %get3A_237 = arith.constant 96 : index
    %get3A_238 = tpu.vector_load %arg7[%get3A_236, %get3A_237] {strides = array<i32>} : memref<16x128xf32, #tpu.memory_space<vmem>>, vector<1x16xf32>,
    %get3A_239 = vector.shape_cast %get3A_238 : vector<1x16xf32> to vector<16xf32>
    %mul3A_240 = arith.mulf %get3A_234, %sub3A_191 : vector<16xf32>
    %mul3A_241 = arith.mulf %get3A_239, %convert_element_type3A_188 : vector<16xf32>
    %add3A_242 = arith.addf %mul3A_240, %mul3A_241 : vector<16xf32>
    %swap3A_243 = arith.constant 2 : i32
    %swap3A_244 = arith.index_cast %swap3A_243 : i32 to index
    %swap3A_245 = arith.constant 32 : index
    %swap3A_246 = tpu.vector_load %arg8[%swap3A_244, %swap3A_245] {strides = array<i32>} : memref<8x64xf32, #tpu.memory_space<vmem>>, vector<1x16xf32>,
    %swap3A_247 = vector.shape_cast %swap3A_246 : vector<1x16xf32> to vector<16xf32>
    %swap3A_248 = vector.shape_cast %add3A_242 : vector<16xf32> to vector<1x16xf32>
    tpu.vector_store %arg8[%swap3A_244, %swap3A_245], %swap3A_248 {strides = array<i32>} : memref<8x64xf32, #tpu.memory_space<vmem>>, vector<1x16xf32>,
    %get3A_249 = arith.constant 2 : i32
    %get3A_250 = arith.index_cast %get3A_249 : i32 to index
    %get3A_251 = arith.constant 48 : index
    %get3A_252 = tpu.vector_load %arg7[%get3A_250, %get3A_251] {strides = array<i32>} : memref<16x128xf32, #tpu.memory_space<vmem>>, vector<1x16xf32>,
    %get3A_253 = vector.shape_cast %get3A_252 : vector<1x16xf32> to vector<16xf32>
    %get3A_254 = arith.constant 2 : i32
    %get3A_255 = arith.index_cast %get3A_254 : i32 to index
    %get3A_256 = arith.constant 112 : index
    %get3A_257 = tpu.vector_load %arg7[%get3A_255, %get3A_256] {strides = array<i32>} : memref<16x128xf32, #tpu.memory_space<vmem>>, vector<1x16xf32>,
    %get3A_258 = vector.shape_cast %get3A_257 : vector<1x16xf32> to vector<16xf32>
    %mul3A_259 = arith.mulf %get3A_253, %sub3A_191 : vector<16xf32>
    %mul3A_260 = arith.mulf %get3A_258, %convert_element_type3A_188 : vector<16xf32>
    %add3A_261 = arith.addf %mul3A_259, %mul3A_260 : vector<16xf32>
    %swap3A_262 = arith.constant 2 : i32
    %swap3A_263 = arith.index_cast %swap3A_262 : i32 to index
    %swap3A_264 = arith.constant 48 : index
    %swap3A_265 = tpu.vector_load %arg8[%swap3A_263, %swap3A_264] {strides = array<i32>} : memref<8x64xf32, #tpu.memory_space<vmem>>, vector<1x16xf32>,
    %swap3A_266 = vector.shape_cast %swap3A_265 : vector<1x16xf32> to vector<16xf32>
    %swap3A_267 = vector.shape_cast %add3A_261 : vector<16xf32> to vector<1x16xf32>
    tpu.vector_store %arg8[%swap3A_263, %swap3A_264], %swap3A_267 {strides = array<i32>} : memref<8x64xf32, #tpu.memory_space<vmem>>, vector<1x16xf32>,
    %broadcast_in_dim3A_268 = arith.constant 3 : i32
    %broadcast_in_dim3A_269 = vector.broadcast %broadcast_in_dim3A_268 : i32 to vector<16x1xi32>
    %gather3A_270 = vector.shape_cast %broadcast_in_dim3A_269 : vector<16x1xi32> to vector<16xi32>
    %gather3A_271 = tpu.dynamic_gather %and3A_10[%gather3A_270] in [0] : vector<16xi32>, vector<16xi32> -> vector<16xi32>
    %convert_element_type3A_272 = arith.sitofp %gather3A_271 : vector<16xi32> to vector<16xf32>
    %sub3A_273 = arith.constant 1.000000e+00 : f32
    %sub3A_274 = vector.broadcast %sub3A_273 : f32 to vector<16xf32>
    %sub3A_275 = arith.subf %sub3A_274, %convert_element_type3A_272 : vector<16xf32>
    %get3A_276 = arith.constant 3 : i32
    %get3A_277 = arith.index_cast %get3A_276 : i32 to index
    %get3A_278 = arith.constant 0 : index
    %get3A_279 = tpu.vector_load %arg7[%get3A_277, %get3A_278] {strides = array<i32>} : memref<16x128xf32, #tpu.memory_space<vmem>>, vector<1x16xf32>,
    %get3A_280 = vector.shape_cast %get3A_279 : vector<1x16xf32> to vector<16xf32>
    %get3A_281 = arith.constant 3 : i32
    %get3A_282 = arith.index_cast %get3A_281 : i32 to index
    %get3A_283 = arith.constant 64 : index
    %get3A_284 = tpu.vector_load %arg7[%get3A_282, %get3A_283] {strides = array<i32>} : memref<16x128xf32, #tpu.memory_space<vmem>>, vector<1x16xf32>,
    %get3A_285 = vector.shape_cast %get3A_284 : vector<1x16xf32> to vector<16xf32>
    %mul3A_286 = arith.mulf %get3A_280, %sub3A_275 : vector<16xf32>
    %mul3A_287 = arith.mulf %get3A_285, %convert_element_type3A_272 : vector<16xf32>
    %add3A_288 = arith.addf %mul3A_286, %mul3A_287 : vector<16xf32>
    %swap3A_289 = arith.constant 3 : i32
    %swap3A_290 = arith.index_cast %swap3A_289 : i32 to index
    %swap3A_291 = arith.constant 0 : index
    %swap3A_292 = tpu.vector_load %arg8[%swap3A_290, %swap3A_291] {strides = array<i32>} : memref<8x64xf32, #tpu.memory_space<vmem>>, vector<1x16xf32>,
    %swap3A_293 = vector.shape_cast %swap3A_292 : vector<1x16xf32> to vector<16xf32>
    %swap3A_294 = vector.shape_cast %add3A_288 : vector<16xf32> to vector<1x16xf32>
    tpu.vector_store %arg8[%swap3A_290, %swap3A_291], %swap3A_294 {strides = array<i32>} : memref<8x64xf32, #tpu.memory_space<vmem>>, vector<1x16xf32>,
    %get3A_295 = arith.constant 3 : i32
    %get3A_296 = arith.index_cast %get3A_295 : i32 to index
    %get3A_297 = arith.constant 16 : index
    %get3A_298 = tpu.vector_load %arg7[%get3A_296, %get3A_297] {strides = array<i32>} : memref<16x128xf32, #tpu.memory_space<vmem>>, vector<1x16xf32>,
    %get3A_299 = vector.shape_cast %get3A_298 : vector<1x16xf32> to vector<16xf32>
    %get3A_300 = arith.constant 3 : i32
    %get3A_301 = arith.index_cast %get3A_300 : i32 to index
    %get3A_302 = arith.constant 80 : index
    %get3A_303 = tpu.vector_load %arg7[%get3A_301, %get3A_302] {strides = array<i32>} : memref<16x128xf32, #tpu.memory_space<vmem>>, vector<1x16xf32>,
    %get3A_304 = vector.shape_cast %get3A_303 : vector<1x16xf32> to vector<16xf32>
    %mul3A_305 = arith.mulf %get3A_299, %sub3A_275 : vector<16xf32>
    %mul3A_306 = arith.mulf %get3A_304, %convert_element_type3A_272 : vector<16xf32>
    %add3A_307 = arith.addf %mul3A_305, %mul3A_306 : vector<16xf32>
    %swap3A_308 = arith.constant 3 : i32
    %swap3A_309 = arith.index_cast %swap3A_308 : i32 to index
    %swap3A_310 = arith.constant 16 : index
    %swap3A_311 = tpu.vector_load %arg8[%swap3A_309, %swap3A_310] {strides = array<i32>} : memref<8x64xf32, #tpu.memory_space<vmem>>, vector<1x16xf32>,
    %swap3A_312 = vector.shape_cast %swap3A_311 : vector<1x16xf32> to vector<16xf32>
    %swap3A_313 = vector.shape_cast %add3A_307 : vector<16xf32> to vector<1x16xf32>
    tpu.vector_store %arg8[%swap3A_309, %swap3A_310], %swap3A_313 {strides = array<i32>} : memref<8x64xf32, #tpu.memory_space<vmem>>, vector<1x16xf32>,
    %get3A_314 = arith.constant 3 : i32
    %get3A_315 = arith.index_cast %get3A_314 : i32 to index
    %get3A_316 = arith.constant 32 : index
    %get3A_317 = tpu.vector_load %arg7[%get3A_315, %get3A_316] {strides = array<i32>} : memref<16x128xf32, #tpu.memory_space<vmem>>, vector<1x16xf32>,
    %get3A_318 = vector.shape_cast %get3A_317 : vector<1x16xf32> to vector<16xf32>
    %get3A_319 = arith.constant 3 : i32
    %get3A_320 = arith.index_cast %get3A_319 : i32 to index
    %get3A_321 = arith.constant 96 : index
    %get3A_322 = tpu.vector_load %arg7[%get3A_320, %get3A_321] {strides = array<i32>} : memref<16x128xf32, #tpu.memory_space<vmem>>, vector<1x16xf32>,
    %get3A_323 = vector.shape_cast %get3A_322 : vector<1x16xf32> to vector<16xf32>
    %mul3A_324 = arith.mulf %get3A_318, %sub3A_275 : vector<16xf32>
    %mul3A_325 = arith.mulf %get3A_323, %convert_element_type3A_272 : vector<16xf32>
    %add3A_326 = arith.addf %mul3A_324, %mul3A_325 : vector<16xf32>
    %swap3A_327 = arith.constant 3 : i32
    %swap3A_328 = arith.index_cast %swap3A_327 : i32 to index
    %swap3A_329 = arith.constant 32 : index
    %swap3A_330 = tpu.vector_load %arg8[%swap3A_328, %swap3A_329] {strides = array<i32>} : memref<8x64xf32, #tpu.memory_space<vmem>>, vector<1x16xf32>,
    %swap3A_331 = vector.shape_cast %swap3A_330 : vector<1x16xf32> to vector<16xf32>
    %swap3A_332 = vector.shape_cast %add3A_326 : vector<16xf32> to vector<1x16xf32>
    tpu.vector_store %arg8[%swap3A_328, %swap3A_329], %swap3A_332 {strides = array<i32>} : memref<8x64xf32, #tpu.memory_space<vmem>>, vector<1x16xf32>,
    %get3A_333 = arith.constant 3 : i32
    %get3A_334 = arith.index_cast %get3A_333 : i32 to index
    %get3A_335 = arith.constant 48 : index
    %get3A_336 = tpu.vector_load %arg7[%get3A_334, %get3A_335] {strides = array<i32>} : memref<16x128xf32, #tpu.memory_space<vmem>>, vector<1x16xf32>,
    %get3A_337 = vector.shape_cast %get3A_336 : vector<1x16xf32> to vector<16xf32>
    %get3A_338 = arith.constant 3 : i32
    %get3A_339 = arith.index_cast %get3A_338 : i32 to index
    %get3A_340 = arith.constant 112 : index
    %get3A_341 = tpu.vector_load %arg7[%get3A_339, %get3A_340] {strides = array<i32>} : memref<16x128xf32, #tpu.memory_space<vmem>>, vector<1x16xf32>,
    %get3A_342 = vector.shape_cast %get3A_341 : vector<1x16xf32> to vector<16xf32>
    %mul3A_343 = arith.mulf %get3A_337, %sub3A_275 : vector<16xf32>
    %mul3A_344 = arith.mulf %get3A_342, %convert_element_type3A_272 : vector<16xf32>
    %add3A_345 = arith.addf %mul3A_343, %mul3A_344 : vector<16xf32>
    %swap3A_346 = arith.constant 3 : i32
    %swap3A_347 = arith.index_cast %swap3A_346 : i32 to index
    %swap3A_348 = arith.constant 48 : index
    %swap3A_349 = tpu.vector_load %arg8[%swap3A_347, %swap3A_348] {strides = array<i32>} : memref<8x64xf32, #tpu.memory_space<vmem>>, vector<1x16xf32>,
    %swap3A_350 = vector.shape_cast %swap3A_349 : vector<1x16xf32> to vector<16xf32>
    %swap3A_351 = vector.shape_cast %add3A_345 : vector<16xf32> to vector<1x16xf32>
    tpu.vector_store %arg8[%swap3A_347, %swap3A_348], %swap3A_351 {strides = array<i32>} : memref<8x64xf32, #tpu.memory_space<vmem>>, vector<1x16xf32>,
    %broadcast_in_dim3A_352 = arith.constant 4 : i32
    %broadcast_in_dim3A_353 = vector.broadcast %broadcast_in_dim3A_352 : i32 to vector<16x1xi32>
    %gather3A_354 = vector.shape_cast %broadcast_in_dim3A_353 : vector<16x1xi32> to vector<16xi32>
    %gather3A_355 = tpu.dynamic_gather %and3A_10[%gather3A_354] in [0] : vector<16xi32>, vector<16xi32> -> vector<16xi32>
    %convert_element_type3A_356 = arith.sitofp %gather3A_355 : vector<16xi32> to vector<16xf32>
    %sub3A_357 = arith.constant 1.000000e+00 : f32
    %sub3A_358 = vector.broadcast %sub3A_357 : f32 to vector<16xf32>
    %sub3A_359 = arith.subf %sub3A_358, %convert_element_type3A_356 : vector<16xf32>
    %get3A_360 = arith.constant 4 : i32
    %get3A_361 = arith.index_cast %get3A_360 : i32 to index
    %get3A_362 = arith.constant 0 : index
    %get3A_363 = tpu.vector_load %arg7[%get3A_361, %get3A_362] {strides = array<i32>} : memref<16x128xf32, #tpu.memory_space<vmem>>, vector<1x16xf32>,
    %get3A_364 = vector.shape_cast %get3A_363 : vector<1x16xf32> to vector<16xf32>
    %get3A_365 = arith.constant 4 : i32
    %get3A_366 = arith.index_cast %get3A_365 : i32 to index
    %get3A_367 = arith.constant 64 : index
    %get3A_368 = tpu.vector_load %arg7[%get3A_366, %get3A_367] {strides = array<i32>} : memref<16x128xf32, #tpu.memory_space<vmem>>, vector<1x16xf32>,
    %get3A_369 = vector.shape_cast %get3A_368 : vector<1x16xf32> to vector<16xf32>
    %mul3A_370 = arith.mulf %get3A_364, %sub3A_359 : vector<16xf32>
    %mul3A_371 = arith.mulf %get3A_369, %convert_element_type3A_356 : vector<16xf32>
    %add3A_372 = arith.addf %mul3A_370, %mul3A_371 : vector<16xf32>
    %swap3A_373 = arith.constant 4 : i32
    %swap3A_374 = arith.index_cast %swap3A_373 : i32 to index
    %swap3A_375 = arith.constant 0 : index
    %swap3A_376 = tpu.vector_load %arg8[%swap3A_374, %swap3A_375] {strides = array<i32>} : memref<8x64xf32, #tpu.memory_space<vmem>>, vector<1x16xf32>,
    %swap3A_377 = vector.shape_cast %swap3A_376 : vector<1x16xf32> to vector<16xf32>
    %swap3A_378 = vector.shape_cast %add3A_372 : vector<16xf32> to vector<1x16xf32>
    tpu.vector_store %arg8[%swap3A_374, %swap3A_375], %swap3A_378 {strides = array<i32>} : memref<8x64xf32, #tpu.memory_space<vmem>>, vector<1x16xf32>,
    %get3A_379 = arith.constant 4 : i32
    %get3A_380 = arith.index_cast %get3A_379 : i32 to index
    %get3A_381 = arith.constant 16 : index
    %get3A_382 = tpu.vector_load %arg7[%get3A_380, %get3A_381] {strides = array<i32>} : memref<16x128xf32, #tpu.memory_space<vmem>>, vector<1x16xf32>,
    %get3A_383 = vector.shape_cast %get3A_382 : vector<1x16xf32> to vector<16xf32>
    %get3A_384 = arith.constant 4 : i32
    %get3A_385 = arith.index_cast %get3A_384 : i32 to index
    %get3A_386 = arith.constant 80 : index
    %get3A_387 = tpu.vector_load %arg7[%get3A_385, %get3A_386] {strides = array<i32>} : memref<16x128xf32, #tpu.memory_space<vmem>>, vector<1x16xf32>,
    %get3A_388 = vector.shape_cast %get3A_387 : vector<1x16xf32> to vector<16xf32>
    %mul3A_389 = arith.mulf %get3A_383, %sub3A_359 : vector<16xf32>
    %mul3A_390 = arith.mulf %get3A_388, %convert_element_type3A_356 : vector<16xf32>
    %add3A_391 = arith.addf %mul3A_389, %mul3A_390 : vector<16xf32>
    %swap3A_392 = arith.constant 4 : i32
    %swap3A_393 = arith.index_cast %swap3A_392 : i32 to index
    %swap3A_394 = arith.constant 16 : index
    %swap3A_395 = tpu.vector_load %arg8[%swap3A_393, %swap3A_394] {strides = array<i32>} : memref<8x64xf32, #tpu.memory_space<vmem>>, vector<1x16xf32>,
    %swap3A_396 = vector.shape_cast %swap3A_395 : vector<1x16xf32> to vector<16xf32>
    %swap3A_397 = vector.shape_cast %add3A_391 : vector<16xf32> to vector<1x16xf32>
    tpu.vector_store %arg8[%swap3A_393, %swap3A_394], %swap3A_397 {strides = array<i32>} : memref<8x64xf32, #tpu.memory_space<vmem>>, vector<1x16xf32>,
    %get3A_398 = arith.constant 4 : i32
    %get3A_399 = arith.index_cast %get3A_398 : i32 to index
    %get3A_400 = arith.constant 32 : index
    %get3A_401 = tpu.vector_load %arg7[%get3A_399, %get3A_400] {strides = array<i32>} : memref<16x128xf32, #tpu.memory_space<vmem>>, vector<1x16xf32>,
    %get3A_402 = vector.shape_cast %get3A_401 : vector<1x16xf32> to vector<16xf32>
    %get3A_403 = arith.constant 4 : i32
    %get3A_404 = arith.index_cast %get3A_403 : i32 to index
    %get3A_405 = arith.constant 96 : index
    %get3A_406 = tpu.vector_load %arg7[%get3A_404, %get3A_405] {strides = array<i32>} : memref<16x128xf32, #tpu.memory_space<vmem>>, vector<1x16xf32>,
    %get3A_407 = vector.shape_cast %get3A_406 : vector<1x16xf32> to vector<16xf32>
    %mul3A_408 = arith.mulf %get3A_402, %sub3A_359 : vector<16xf32>
    %mul3A_409 = arith.mulf %get3A_407, %convert_element_type3A_356 : vector<16xf32>
    %add3A_410 = arith.addf %mul3A_408, %mul3A_409 : vector<16xf32>
    %swap3A_411 = arith.constant 4 : i32
    %swap3A_412 = arith.index_cast %swap3A_411 : i32 to index
    %swap3A_413 = arith.constant 32 : index
    %swap3A_414 = tpu.vector_load %arg8[%swap3A_412, %swap3A_413] {strides = array<i32>} : memref<8x64xf32, #tpu.memory_space<vmem>>, vector<1x16xf32>,
    %swap3A_415 = vector.shape_cast %swap3A_414 : vector<1x16xf32> to vector<16xf32>
    %swap3A_416 = vector.shape_cast %add3A_410 : vector<16xf32> to vector<1x16xf32>
    tpu.vector_store %arg8[%swap3A_412, %swap3A_413], %swap3A_416 {strides = array<i32>} : memref<8x64xf32, #tpu.memory_space<vmem>>, vector<1x16xf32>,
    %get3A_417 = arith.constant 4 : i32
    %get3A_418 = arith.index_cast %get3A_417 : i32 to index
    %get3A_419 = arith.constant 48 : index
    %get3A_420 = tpu.vector_load %arg7[%get3A_418, %get3A_419] {strides = array<i32>} : memref<16x128xf32, #tpu.memory_space<vmem>>, vector<1x16xf32>,
    %get3A_421 = vector.shape_cast %get3A_420 : vector<1x16xf32> to vector<16xf32>
    %get3A_422 = arith.constant 4 : i32
    %get3A_423 = arith.index_cast %get3A_422 : i32 to index
    %get3A_424 = arith.constant 112 : index
    %get3A_425 = tpu.vector_load %arg7[%get3A_423, %get3A_424] {strides = array<i32>} : memref<16x128xf32, #tpu.memory_space<vmem>>, vector<1x16xf32>,
    %get3A_426 = vector.shape_cast %get3A_425 : vector<1x16xf32> to vector<16xf32>
    %mul3A_427 = arith.mulf %get3A_421, %sub3A_359 : vector<16xf32>
    %mul3A_428 = arith.mulf %get3A_426, %convert_element_type3A_356 : vector<16xf32>
    %add3A_429 = arith.addf %mul3A_427, %mul3A_428 : vector<16xf32>
    %swap3A_430 = arith.constant 4 : i32
    %swap3A_431 = arith.index_cast %swap3A_430 : i32 to index
    %swap3A_432 = arith.constant 48 : index
    %swap3A_433 = tpu.vector_load %arg8[%swap3A_431, %swap3A_432] {strides = array<i32>} : memref<8x64xf32, #tpu.memory_space<vmem>>, vector<1x16xf32>,
    %swap3A_434 = vector.shape_cast %swap3A_433 : vector<1x16xf32> to vector<16xf32>
    %swap3A_435 = vector.shape_cast %add3A_429 : vector<16xf32> to vector<1x16xf32>
    tpu.vector_store %arg8[%swap3A_431, %swap3A_432], %swap3A_435 {strides = array<i32>} : memref<8x64xf32, #tpu.memory_space<vmem>>, vector<1x16xf32>,
    %broadcast_in_dim3A_436 = arith.constant 5 : i32
    %broadcast_in_dim3A_437 = vector.broadcast %broadcast_in_dim3A_436 : i32 to vector<16x1xi32>
    %gather3A_438 = vector.shape_cast %broadcast_in_dim3A_437 : vector<16x1xi32> to vector<16xi32>
    %gather3A_439 = tpu.dynamic_gather %and3A_10[%gather3A_438] in [0] : vector<16xi32>, vector<16xi32> -> vector<16xi32>
    %convert_element_type3A_440 = arith.sitofp %gather3A_439 : vector<16xi32> to vector<16xf32>
    %sub3A_441 = arith.constant 1.000000e+00 : f32
    %sub3A_442 = vector.broadcast %sub3A_441 : f32 to vector<16xf32>
    %sub3A_443 = arith.subf %sub3A_442, %convert_element_type3A_440 : vector<16xf32>
    %get3A_444 = arith.constant 5 : i32
    %get3A_445 = arith.index_cast %get3A_444 : i32 to index
    %get3A_446 = arith.constant 0 : index
    %get3A_447 = tpu.vector_load %arg7[%get3A_445, %get3A_446] {strides = array<i32>} : memref<16x128xf32, #tpu.memory_space<vmem>>, vector<1x16xf32>,
    %get3A_448 = vector.shape_cast %get3A_447 : vector<1x16xf32> to vector<16xf32>
    %get3A_449 = arith.constant 5 : i32
    %get3A_450 = arith.index_cast %get3A_449 : i32 to index
    %get3A_451 = arith.constant 64 : index
    %get3A_452 = tpu.vector_load %arg7[%get3A_450, %get3A_451] {strides = array<i32>} : memref<16x128xf32, #tpu.memory_space<vmem>>, vector<1x16xf32>,
    %get3A_453 = vector.shape_cast %get3A_452 : vector<1x16xf32> to vector<16xf32>
    %mul3A_454 = arith.mulf %get3A_448, %sub3A_443 : vector<16xf32>
    %mul3A_455 = arith.mulf %get3A_453, %convert_element_type3A_440 : vector<16xf32>
    %add3A_456 = arith.addf %mul3A_454, %mul3A_455 : vector<16xf32>
    %swap3A_457 = arith.constant 5 : i32
    %swap3A_458 = arith.index_cast %swap3A_457 : i32 to index
    %swap3A_459 = arith.constant 0 : index
    %swap3A_460 = tpu.vector_load %arg8[%swap3A_458, %swap3A_459] {strides = array<i32>} : memref<8x64xf32, #tpu.memory_space<vmem>>, vector<1x16xf32>,
    %swap3A_461 = vector.shape_cast %swap3A_460 : vector<1x16xf32> to vector<16xf32>
    %swap3A_462 = vector.shape_cast %add3A_456 : vector<16xf32> to vector<1x16xf32>
    tpu.vector_store %arg8[%swap3A_458, %swap3A_459], %swap3A_462 {strides = array<i32>} : memref<8x64xf32, #tpu.memory_space<vmem>>, vector<1x16xf32>,
    %get3A_463 = arith.constant 5 : i32
    %get3A_464 = arith.index_cast %get3A_463 : i32 to index
    %get3A_465 = arith.constant 16 : index
    %get3A_466 = tpu.vector_load %arg7[%get3A_464, %get3A_465] {strides = array<i32>} : memref<16x128xf32, #tpu.memory_space<vmem>>, vector<1x16xf32>,
    %get3A_467 = vector.shape_cast %get3A_466 : vector<1x16xf32> to vector<16xf32>
    %get3A_468 = arith.constant 5 : i32
    %get3A_469 = arith.index_cast %get3A_468 : i32 to index
    %get3A_470 = arith.constant 80 : index
    %get3A_471 = tpu.vector_load %arg7[%get3A_469, %get3A_470] {strides = array<i32>} : memref<16x128xf32, #tpu.memory_space<vmem>>, vector<1x16xf32>,
    %get3A_472 = vector.shape_cast %get3A_471 : vector<1x16xf32> to vector<16xf32>
    %mul3A_473 = arith.mulf %get3A_467, %sub3A_443 : vector<16xf32>
    %mul3A_474 = arith.mulf %get3A_472, %convert_element_type3A_440 : vector<16xf32>
    %add3A_475 = arith.addf %mul3A_473, %mul3A_474 : vector<16xf32>
    %swap3A_476 = arith.constant 5 : i32
    %swap3A_477 = arith.index_cast %swap3A_476 : i32 to index
    %swap3A_478 = arith.constant 16 : index
    %swap3A_479 = tpu.vector_load %arg8[%swap3A_477, %swap3A_478] {strides = array<i32>} : memref<8x64xf32, #tpu.memory_space<vmem>>, vector<1x16xf32>,
    %swap3A_480 = vector.shape_cast %swap3A_479 : vector<1x16xf32> to vector<16xf32>
    %swap3A_481 = vector.shape_cast %add3A_475 : vector<16xf32> to vector<1x16xf32>
    tpu.vector_store %arg8[%swap3A_477, %swap3A_478], %swap3A_481 {strides = array<i32>} : memref<8x64xf32, #tpu.memory_space<vmem>>, vector<1x16xf32>,
    %get3A_482 = arith.constant 5 : i32
    %get3A_483 = arith.index_cast %get3A_482 : i32 to index
    %get3A_484 = arith.constant 32 : index
    %get3A_485 = tpu.vector_load %arg7[%get3A_483, %get3A_484] {strides = array<i32>} : memref<16x128xf32, #tpu.memory_space<vmem>>, vector<1x16xf32>,
    %get3A_486 = vector.shape_cast %get3A_485 : vector<1x16xf32> to vector<16xf32>
    %get3A_487 = arith.constant 5 : i32
    %get3A_488 = arith.index_cast %get3A_487 : i32 to index
    %get3A_489 = arith.constant 96 : index
    %get3A_490 = tpu.vector_load %arg7[%get3A_488, %get3A_489] {strides = array<i32>} : memref<16x128xf32, #tpu.memory_space<vmem>>, vector<1x16xf32>,
    %get3A_491 = vector.shape_cast %get3A_490 : vector<1x16xf32> to vector<16xf32>
    %mul3A_492 = arith.mulf %get3A_486, %sub3A_443 : vector<16xf32>
    %mul3A_493 = arith.mulf %get3A_491, %convert_element_type3A_440 : vector<16xf32>
    %add3A_494 = arith.addf %mul3A_492, %mul3A_493 : vector<16xf32>
    %swap3A_495 = arith.constant 5 : i32
    %swap3A_496 = arith.index_cast %swap3A_495 : i32 to index
    %swap3A_497 = arith.constant 32 : index
    %swap3A_498 = tpu.vector_load %arg8[%swap3A_496, %swap3A_497] {strides = array<i32>} : memref<8x64xf32, #tpu.memory_space<vmem>>, vector<1x16xf32>,
    %swap3A_499 = vector.shape_cast %swap3A_498 : vector<1x16xf32> to vector<16xf32>
    %swap3A_500 = vector.shape_cast %add3A_494 : vector<16xf32> to vector<1x16xf32>
    tpu.vector_store %arg8[%swap3A_496, %swap3A_497], %swap3A_500 {strides = array<i32>} : memref<8x64xf32, #tpu.memory_space<vmem>>, vector<1x16xf32>,
    %get3A_501 = arith.constant 5 : i32
    %get3A_502 = arith.index_cast %get3A_501 : i32 to index
    %get3A_503 = arith.constant 48 : index
    %get3A_504 = tpu.vector_load %arg7[%get3A_502, %get3A_503] {strides = array<i32>} : memref<16x128xf32, #tpu.memory_space<vmem>>, vector<1x16xf32>,
    %get3A_505 = vector.shape_cast %get3A_504 : vector<1x16xf32> to vector<16xf32>
    %get3A_506 = arith.constant 5 : i32
    %get3A_507 = arith.index_cast %get3A_506 : i32 to index
    %get3A_508 = arith.constant 112 : index
    %get3A_509 = tpu.vector_load %arg7[%get3A_507, %get3A_508] {strides = array<i32>} : memref<16x128xf32, #tpu.memory_space<vmem>>, vector<1x16xf32>,
    %get3A_510 = vector.shape_cast %get3A_509 : vector<1x16xf32> to vector<16xf32>
    %mul3A_511 = arith.mulf %get3A_505, %sub3A_443 : vector<16xf32>
    %mul3A_512 = arith.mulf %get3A_510, %convert_element_type3A_440 : vector<16xf32>
    %add3A_513 = arith.addf %mul3A_511, %mul3A_512 : vector<16xf32>
    %swap3A_514 = arith.constant 5 : i32
    %swap3A_515 = arith.index_cast %swap3A_514 : i32 to index
    %swap3A_516 = arith.constant 48 : index
    %swap3A_517 = tpu.vector_load %arg8[%swap3A_515, %swap3A_516] {strides = array<i32>} : memref<8x64xf32, #tpu.memory_space<vmem>>, vector<1x16xf32>,
    %swap3A_518 = vector.shape_cast %swap3A_517 : vector<1x16xf32> to vector<16xf32>
    %swap3A_519 = vector.shape_cast %add3A_513 : vector<16xf32> to vector<1x16xf32>
    tpu.vector_store %arg8[%swap3A_515, %swap3A_516], %swap3A_519 {strides = array<i32>} : memref<8x64xf32, #tpu.memory_space<vmem>>, vector<1x16xf32>,
    %broadcast_in_dim3A_520 = arith.constant 6 : i32
    %broadcast_in_dim3A_521 = vector.broadcast %broadcast_in_dim3A_520 : i32 to vector<16x1xi32>
    %gather3A_522 = vector.shape_cast %broadcast_in_dim3A_521 : vector<16x1xi32> to vector<16xi32>
    %gather3A_523 = tpu.dynamic_gather %and3A_10[%gather3A_522] in [0] : vector<16xi32>, vector<16xi32> -> vector<16xi32>
    %convert_element_type3A_524 = arith.sitofp %gather3A_523 : vector<16xi32> to vector<16xf32>
    %sub3A_525 = arith.constant 1.000000e+00 : f32
    %sub3A_526 = vector.broadcast %sub3A_525 : f32 to vector<16xf32>
    %sub3A_527 = arith.subf %sub3A_526, %convert_element_type3A_524 : vector<16xf32>
    %get3A_528 = arith.constant 6 : i32
    %get3A_529 = arith.index_cast %get3A_528 : i32 to index
    %get3A_530 = arith.constant 0 : index
    %get3A_531 = tpu.vector_load %arg7[%get3A_529, %get3A_530] {strides = array<i32>} : memref<16x128xf32, #tpu.memory_space<vmem>>, vector<1x16xf32>,
    %get3A_532 = vector.shape_cast %get3A_531 : vector<1x16xf32> to vector<16xf32>
    %get3A_533 = arith.constant 6 : i32
    %get3A_534 = arith.index_cast %get3A_533 : i32 to index
    %get3A_535 = arith.constant 64 : index
    %get3A_536 = tpu.vector_load %arg7[%get3A_534, %get3A_535] {strides = array<i32>} : memref<16x128xf32, #tpu.memory_space<vmem>>, vector<1x16xf32>,
    %get3A_537 = vector.shape_cast %get3A_536 : vector<1x16xf32> to vector<16xf32>
    %mul3A_538 = arith.mulf %get3A_532, %sub3A_527 : vector<16xf32>
    %mul3A_539 = arith.mulf %get3A_537, %convert_element_type3A_524 : vector<16xf32>
    %add3A_540 = arith.addf %mul3A_538, %mul3A_539 : vector<16xf32>
    %swap3A_541 = arith.constant 6 : i32
    %swap3A_542 = arith.index_cast %swap3A_541 : i32 to index
    %swap3A_543 = arith.constant 0 : index
    %swap3A_544 = tpu.vector_load %arg8[%swap3A_542, %swap3A_543] {strides = array<i32>} : memref<8x64xf32, #tpu.memory_space<vmem>>, vector<1x16xf32>,
    %swap3A_545 = vector.shape_cast %swap3A_544 : vector<1x16xf32> to vector<16xf32>
    %swap3A_546 = vector.shape_cast %add3A_540 : vector<16xf32> to vector<1x16xf32>
    tpu.vector_store %arg8[%swap3A_542, %swap3A_543], %swap3A_546 {strides = array<i32>} : memref<8x64xf32, #tpu.memory_space<vmem>>, vector<1x16xf32>,
    %get3A_547 = arith.constant 6 : i32
    %get3A_548 = arith.index_cast %get3A_547 : i32 to index
    %get3A_549 = arith.constant 16 : index
    %get3A_550 = tpu.vector_load %arg7[%get3A_548, %get3A_549] {strides = array<i32>} : memref<16x128xf32, #tpu.memory_space<vmem>>, vector<1x16xf32>,
    %get3A_551 = vector.shape_cast %get3A_550 : vector<1x16xf32> to vector<16xf32>
    %get3A_552 = arith.constant 6 : i32
    %get3A_553 = arith.index_cast %get3A_552 : i32 to index
    %get3A_554 = arith.constant 80 : index
    %get3A_555 = tpu.vector_load %arg7[%get3A_553, %get3A_554] {strides = array<i32>} : memref<16x128xf32, #tpu.memory_space<vmem>>, vector<1x16xf32>,
    %get3A_556 = vector.shape_cast %get3A_555 : vector<1x16xf32> to vector<16xf32>
    %mul3A_557 = arith.mulf %get3A_551, %sub3A_527 : vector<16xf32>
    %mul3A_558 = arith.mulf %get3A_556, %convert_element_type3A_524 : vector<16xf32>
    %add3A_559 = arith.addf %mul3A_557, %mul3A_558 : vector<16xf32>
    %swap3A_560 = arith.constant 6 : i32
    %swap3A_561 = arith.index_cast %swap3A_560 : i32 to index
    %swap3A_562 = arith.constant 16 : index
    %swap3A_563 = tpu.vector_load %arg8[%swap3A_561, %swap3A_562] {strides = array<i32>} : memref<8x64xf32, #tpu.memory_space<vmem>>, vector<1x16xf32>,
    %swap3A_564 = vector.shape_cast %swap3A_563 : vector<1x16xf32> to vector<16xf32>
    %swap3A_565 = vector.shape_cast %add3A_559 : vector<16xf32> to vector<1x16xf32>
    tpu.vector_store %arg8[%swap3A_561, %swap3A_562], %swap3A_565 {strides = array<i32>} : memref<8x64xf32, #tpu.memory_space<vmem>>, vector<1x16xf32>,
    %get3A_566 = arith.constant 6 : i32
    %get3A_567 = arith.index_cast %get3A_566 : i32 to index
    %get3A_568 = arith.constant 32 : index
    %get3A_569 = tpu.vector_load %arg7[%get3A_567, %get3A_568] {strides = array<i32>} : memref<16x128xf32, #tpu.memory_space<vmem>>, vector<1x16xf32>,
    %get3A_570 = vector.shape_cast %get3A_569 : vector<1x16xf32> to vector<16xf32>
    %get3A_571 = arith.constant 6 : i32
    %get3A_572 = arith.index_cast %get3A_571 : i32 to index
    %get3A_573 = arith.constant 96 : index
    %get3A_574 = tpu.vector_load %arg7[%get3A_572, %get3A_573] {strides = array<i32>} : memref<16x128xf32, #tpu.memory_space<vmem>>, vector<1x16xf32>,
    %get3A_575 = vector.shape_cast %get3A_574 : vector<1x16xf32> to vector<16xf32>
    %mul3A_576 = arith.mulf %get3A_570, %sub3A_527 : vector<16xf32>
    %mul3A_577 = arith.mulf %get3A_575, %convert_element_type3A_524 : vector<16xf32>
    %add3A_578 = arith.addf %mul3A_576, %mul3A_577 : vector<16xf32>
    %swap3A_579 = arith.constant 6 : i32
    %swap3A_580 = arith.index_cast %swap3A_579 : i32 to index
    %swap3A_581 = arith.constant 32 : index
    %swap3A_582 = tpu.vector_load %arg8[%swap3A_580, %swap3A_581] {strides = array<i32>} : memref<8x64xf32, #tpu.memory_space<vmem>>, vector<1x16xf32>,
    %swap3A_583 = vector.shape_cast %swap3A_582 : vector<1x16xf32> to vector<16xf32>
    %swap3A_584 = vector.shape_cast %add3A_578 : vector<16xf32> to vector<1x16xf32>
    tpu.vector_store %arg8[%swap3A_580, %swap3A_581], %swap3A_584 {strides = array<i32>} : memref<8x64xf32, #tpu.memory_space<vmem>>, vector<1x16xf32>,
    %get3A_585 = arith.constant 6 : i32
    %get3A_586 = arith.index_cast %get3A_585 : i32 to index
    %get3A_587 = arith.constant 48 : index
    %get3A_588 = tpu.vector_load %arg7[%get3A_586, %get3A_587] {strides = array<i32>} : memref<16x128xf32, #tpu.memory_space<vmem>>, vector<1x16xf32>,
    %get3A_589 = vector.shape_cast %get3A_588 : vector<1x16xf32> to vector<16xf32>
    %get3A_590 = arith.constant 6 : i32
    %get3A_591 = arith.index_cast %get3A_590 : i32 to index
    %get3A_592 = arith.constant 112 : index
    %get3A_593 = tpu.vector_load %arg7[%get3A_591, %get3A_592] {strides = array<i32>} : memref<16x128xf32, #tpu.memory_space<vmem>>, vector<1x16xf32>,
    %get3A_594 = vector.shape_cast %get3A_593 : vector<1x16xf32> to vector<16xf32>
    %mul3A_595 = arith.mulf %get3A_589, %sub3A_527 : vector<16xf32>
    %mul3A_596 = arith.mulf %get3A_594, %convert_element_type3A_524 : vector<16xf32>
    %add3A_597 = arith.addf %mul3A_595, %mul3A_596 : vector<16xf32>
    %swap3A_598 = arith.constant 6 : i32
    %swap3A_599 = arith.index_cast %swap3A_598 : i32 to index
    %swap3A_600 = arith.constant 48 : index
    %swap3A_601 = tpu.vector_load %arg8[%swap3A_599, %swap3A_600] {strides = array<i32>} : memref<8x64xf32, #tpu.memory_space<vmem>>, vector<1x16xf32>,
    %swap3A_602 = vector.shape_cast %swap3A_601 : vector<1x16xf32> to vector<16xf32>
    %swap3A_603 = vector.shape_cast %add3A_597 : vector<16xf32> to vector<1x16xf32>
    tpu.vector_store %arg8[%swap3A_599, %swap3A_600], %swap3A_603 {strides = array<i32>} : memref<8x64xf32, #tpu.memory_space<vmem>>, vector<1x16xf32>,
    %broadcast_in_dim3A_604 = arith.constant 7 : i32
    %broadcast_in_dim3A_605 = vector.broadcast %broadcast_in_dim3A_604 : i32 to vector<16x1xi32>
    %gather3A_606 = vector.shape_cast %broadcast_in_dim3A_605 : vector<16x1xi32> to vector<16xi32>
    %gather3A_607 = tpu.dynamic_gather %and3A_10[%gather3A_606] in [0] : vector<16xi32>, vector<16xi32> -> vector<16xi32>
    %convert_element_type3A_608 = arith.sitofp %gather3A_607 : vector<16xi32> to vector<16xf32>
    %sub3A_609 = arith.constant 1.000000e+00 : f32
    %sub3A_610 = vector.broadcast %sub3A_609 : f32 to vector<16xf32>
    %sub3A_611 = arith.subf %sub3A_610, %convert_element_type3A_608 : vector<16xf32>
    %get3A_612 = arith.constant 7 : i32
    %get3A_613 = arith.index_cast %get3A_612 : i32 to index
    %get3A_614 = arith.constant 0 : index
    %get3A_615 = tpu.vector_load %arg7[%get3A_613, %get3A_614] {strides = array<i32>} : memref<16x128xf32, #tpu.memory_space<vmem>>, vector<1x16xf32>,
    %get3A_616 = vector.shape_cast %get3A_615 : vector<1x16xf32> to vector<16xf32>
    %get3A_617 = arith.constant 7 : i32
    %get3A_618 = arith.index_cast %get3A_617 : i32 to index
    %get3A_619 = arith.constant 64 : index
    %get3A_620 = tpu.vector_load %arg7[%get3A_618, %get3A_619] {strides = array<i32>} : memref<16x128xf32, #tpu.memory_space<vmem>>, vector<1x16xf32>,
    %get3A_621 = vector.shape_cast %get3A_620 : vector<1x16xf32> to vector<16xf32>
    %mul3A_622 = arith.mulf %get3A_616, %sub3A_611 : vector<16xf32>
    %mul3A_623 = arith.mulf %get3A_621, %convert_element_type3A_608 : vector<16xf32>
    %add3A_624 = arith.addf %mul3A_622, %mul3A_623 : vector<16xf32>
    %swap3A_625 = arith.constant 7 : i32
    %swap3A_626 = arith.index_cast %swap3A_625 : i32 to index
    %swap3A_627 = arith.constant 0 : index
    %swap3A_628 = tpu.vector_load %arg8[%swap3A_626, %swap3A_627] {strides = array<i32>} : memref<8x64xf32, #tpu.memory_space<vmem>>, vector<1x16xf32>,
    %swap3A_629 = vector.shape_cast %swap3A_628 : vector<1x16xf32> to vector<16xf32>
    %swap3A_630 = vector.shape_cast %add3A_624 : vector<16xf32> to vector<1x16xf32>
    tpu.vector_store %arg8[%swap3A_626, %swap3A_627], %swap3A_630 {strides = array<i32>} : memref<8x64xf32, #tpu.memory_space<vmem>>, vector<1x16xf32>,
    %get3A_631 = arith.constant 7 : i32
    %get3A_632 = arith.index_cast %get3A_631 : i32 to index
    %get3A_633 = arith.constant 16 : index
    %get3A_634 = tpu.vector_load %arg7[%get3A_632, %get3A_633] {strides = array<i32>} : memref<16x128xf32, #tpu.memory_space<vmem>>, vector<1x16xf32>,
    %get3A_635 = vector.shape_cast %get3A_634 : vector<1x16xf32> to vector<16xf32>
    %get3A_636 = arith.constant 7 : i32
    %get3A_637 = arith.index_cast %get3A_636 : i32 to index
    %get3A_638 = arith.constant 80 : index
    %get3A_639 = tpu.vector_load %arg7[%get3A_637, %get3A_638] {strides = array<i32>} : memref<16x128xf32, #tpu.memory_space<vmem>>, vector<1x16xf32>,
    %get3A_640 = vector.shape_cast %get3A_639 : vector<1x16xf32> to vector<16xf32>
    %mul3A_641 = arith.mulf %get3A_635, %sub3A_611 : vector<16xf32>
    %mul3A_642 = arith.mulf %get3A_640, %convert_element_type3A_608 : vector<16xf32>
    %add3A_643 = arith.addf %mul3A_641, %mul3A_642 : vector<16xf32>
    %swap3A_644 = arith.constant 7 : i32
    %swap3A_645 = arith.index_cast %swap3A_644 : i32 to index
    %swap3A_646 = arith.constant 16 : index
    %swap3A_647 = tpu.vector_load %arg8[%swap3A_645, %swap3A_646] {strides = array<i32>} : memref<8x64xf32, #tpu.memory_space<vmem>>, vector<1x16xf32>,
    %swap3A_648 = vector.shape_cast %swap3A_647 : vector<1x16xf32> to vector<16xf32>
    %swap3A_649 = vector.shape_cast %add3A_643 : vector<16xf32> to vector<1x16xf32>
    tpu.vector_store %arg8[%swap3A_645, %swap3A_646], %swap3A_649 {strides = array<i32>} : memref<8x64xf32, #tpu.memory_space<vmem>>, vector<1x16xf32>,
    %get3A_650 = arith.constant 7 : i32
    %get3A_651 = arith.index_cast %get3A_650 : i32 to index
    %get3A_652 = arith.constant 32 : index
    %get3A_653 = tpu.vector_load %arg7[%get3A_651, %get3A_652] {strides = array<i32>} : memref<16x128xf32, #tpu.memory_space<vmem>>, vector<1x16xf32>,
    %get3A_654 = vector.shape_cast %get3A_653 : vector<1x16xf32> to vector<16xf32>
    %get3A_655 = arith.constant 7 : i32
    %get3A_656 = arith.index_cast %get3A_655 : i32 to index
    %get3A_657 = arith.constant 96 : index
    %get3A_658 = tpu.vector_load %arg7[%get3A_656, %get3A_657] {strides = array<i32>} : memref<16x128xf32, #tpu.memory_space<vmem>>, vector<1x16xf32>,
    %get3A_659 = vector.shape_cast %get3A_658 : vector<1x16xf32> to vector<16xf32>
    %mul3A_660 = arith.mulf %get3A_654, %sub3A_611 : vector<16xf32>
    %mul3A_661 = arith.mulf %get3A_659, %convert_element_type3A_608 : vector<16xf32>
    %add3A_662 = arith.addf %mul3A_660, %mul3A_661 : vector<16xf32>
    %swap3A_663 = arith.constant 7 : i32
    %swap3A_664 = arith.index_cast %swap3A_663 : i32 to index
    %swap3A_665 = arith.constant 32 : index
    %swap3A_666 = tpu.vector_load %arg8[%swap3A_664, %swap3A_665] {strides = array<i32>} : memref<8x64xf32, #tpu.memory_space<vmem>>, vector<1x16xf32>,
    %swap3A_667 = vector.shape_cast %swap3A_666 : vector<1x16xf32> to vector<16xf32>
    %swap3A_668 = vector.shape_cast %add3A_662 : vector<16xf32> to vector<1x16xf32>
    tpu.vector_store %arg8[%swap3A_664, %swap3A_665], %swap3A_668 {strides = array<i32>} : memref<8x64xf32, #tpu.memory_space<vmem>>, vector<1x16xf32>,
    %get3A_669 = arith.constant 7 : i32
    %get3A_670 = arith.index_cast %get3A_669 : i32 to index
    %get3A_671 = arith.constant 48 : index
    %get3A_672 = tpu.vector_load %arg7[%get3A_670, %get3A_671] {strides = array<i32>} : memref<16x128xf32, #tpu.memory_space<vmem>>, vector<1x16xf32>,
    %get3A_673 = vector.shape_cast %get3A_672 : vector<1x16xf32> to vector<16xf32>
    %get3A_674 = arith.constant 7 : i32
    %get3A_675 = arith.index_cast %get3A_674 : i32 to index
    %get3A_676 = arith.constant 112 : index
    %get3A_677 = tpu.vector_load %arg7[%get3A_675, %get3A_676] {strides = array<i32>} : memref<16x128xf32, #tpu.memory_space<vmem>>, vector<1x16xf32>,
    %get3A_678 = vector.shape_cast %get3A_677 : vector<1x16xf32> to vector<16xf32>
    %mul3A_679 = arith.mulf %get3A_673, %sub3A_611 : vector<16xf32>
    %mul3A_680 = arith.mulf %get3A_678, %convert_element_type3A_608 : vector<16xf32>
    %add3A_681 = arith.addf %mul3A_679, %mul3A_680 : vector<16xf32>
    %swap3A_682 = arith.constant 7 : i32
    %swap3A_683 = arith.index_cast %swap3A_682 : i32 to index
    %swap3A_684 = arith.constant 48 : index
    %swap3A_685 = tpu.vector_load %arg8[%swap3A_683, %swap3A_684] {strides = array<i32>} : memref<8x64xf32, #tpu.memory_space<vmem>>, vector<1x16xf32>,
    %swap3A_686 = vector.shape_cast %swap3A_685 : vector<1x16xf32> to vector<16xf32>
    %swap3A_687 = vector.shape_cast %add3A_681 : vector<16xf32> to vector<1x16xf32>
    tpu.vector_store %arg8[%swap3A_683, %swap3A_684], %swap3A_687 {strides = array<i32>} : memref<8x64xf32, #tpu.memory_space<vmem>>, vector<1x16xf32>,
    "tpu.region"() ({
      %run_scoped3A = tpu.sem_alloc : memref<!tpu.dma_semaphore, #tpu.memory_space<semaphore_mem>>
      %dma_start3A_688 = arith.constant 0 : i32
      %dma_start3A_689 = tpu.memref_slice %arg4[%mul3A_2, %dma_start3A_688] : memref<256x64xf32, #tpu.memory_space<hbm>> -> memref<8x64xf32, #tpu.memory_space<hbm>>
      %dma_start3A_690 = arith.constant 0 : i32
      %dma_start3A_691 = tpu.memref_slice %arg4[%mul3A_2, %dma_start3A_690] : memref<256x64xf32, #tpu.memory_space<hbm>> -> memref<8x64xf32, #tpu.memory_space<hbm>>
      tpu.enqueue_dma source(%arg8 : memref<8x64xf32, #tpu.memory_space<vmem>>) target(%dma_start3A_691 : memref<8x64xf32, #tpu.memory_space<hbm>>) target_semaphore(%run_scoped3A : memref<!tpu.dma_semaphore, #tpu.memory_space<semaphore_mem>>)
      %dma_wait3A_692 = arith.constant 0 : i32
      %dma_wait3A_693 = tpu.memref_slice %arg4[%mul3A_2, %dma_wait3A_692] : memref<256x64xf32, #tpu.memory_space<hbm>> -> memref<8x64xf32, #tpu.memory_space<hbm>>
      %dma_wait3A_694 = arith.constant 0 : i32
      %dma_wait3A_695 = tpu.memref_slice %arg4[%mul3A_2, %dma_wait3A_694] : memref<256x64xf32, #tpu.memory_space<hbm>> -> memref<8x64xf32, #tpu.memory_space<hbm>>
      tpu.wait_dma2 semaphore(%run_scoped3A : memref<!tpu.dma_semaphore, #tpu.memory_space<semaphore_mem>>) src(%arg8 : memref<8x64xf32, #tpu.memory_space<vmem>>) dst(%dma_wait3A_695 : memref<8x64xf32, #tpu.memory_space<hbm>>)
      tpu.yield
    }) : () -> ()
    return
  }
}

module attributes {stable_mosaic.version = 14 : i64} {
  func.func @_topk_body(%arg0: i32, %arg1: memref<32x64xf32, #tpu.memory_space<vmem>>, %arg2: memref<64x16384xf32, #tpu.memory_space<vmem>>, %arg3: memref<32x8xf32, #tpu.memory_space<vmem>>, %arg4: memref<32x8xi32, #tpu.memory_space<vmem>>, %arg5: memref<32x8xf32, #tpu.memory_space<vmem>>, %arg6: memref<32x8xf32, #tpu.memory_space<vmem>>, %arg7: memref<32x64xf32, #tpu.memory_space<vmem>>) attributes {dimension_semantics = [#tpu.dimension_semantics<arbitrary>], iteration_bounds = array<i64: 31>, scalar_prefetch = 0 : i64, scratch_operands = 3 : i64, tpu.core_type = #tpu.core_type<tc>, window_params = [{pipeline_mode = #tpu.pipeline_mode<synchronous>, transform_indices = @transform_0, window_bounds = array<i64: 32, 64>}, {transform_indices = @transform_1, window_bounds = array<i64: 64, 16384>}, {pipeline_mode = #tpu.pipeline_mode<synchronous>, transform_indices = @transform_2, window_bounds = array<i64: 32, 8>}, {pipeline_mode = #tpu.pipeline_mode<synchronous>, transform_indices = @transform_3, window_bounds = array<i64: 32, 8>}]} {
    %eq3A = arith.constant 0 : i32
    %eq3A_0 = arith.cmpi eq, %arg0, %eq3A : i32
    %convert_element_type3A = arith.extui %eq3A_0 : i1 to i32
    %cond3A = arith.constant 0 : i32
    %cond3A_1 = arith.cmpi ne, %convert_element_type3A, %cond3A : i32
    scf.if %cond3A_1 {
      %broadcast_in_dim3A_174 = arith.constant 0xFF800000 : f32
      %broadcast_in_dim3A_175 = vector.broadcast %broadcast_in_dim3A_174 : f32 to vector<32x8xf32>
      %swap3A_176 = arith.constant 0 : index
      %swap3A_177 = arith.constant 0 : index
      %swap3A_178 = vector.load %arg5[%swap3A_176, %swap3A_177] : memref<32x8xf32, #tpu.memory_space<vmem>>, vector<32x8xf32>
      tpu.vector_store %arg5[%swap3A_176, %swap3A_177], %broadcast_in_dim3A_175 {strides = array<i32>} : memref<32x8xf32, #tpu.memory_space<vmem>>, vector<32x8xf32>,
      %broadcast_in_dim3A_179 = arith.constant 0x4C000000 : f32
      %broadcast_in_dim3A_180 = vector.broadcast %broadcast_in_dim3A_179 : f32 to vector<32x8xf32>
      %swap3A_181 = arith.constant 0 : index
      %swap3A_182 = arith.constant 0 : index
      %swap3A_183 = vector.load %arg6[%swap3A_181, %swap3A_182] : memref<32x8xf32, #tpu.memory_space<vmem>>, vector<32x8xf32>
      tpu.vector_store %arg6[%swap3A_181, %swap3A_182], %broadcast_in_dim3A_180 {strides = array<i32>} : memref<32x8xf32, #tpu.memory_space<vmem>>, vector<32x8xf32>,
      %get3A_184 = arith.constant 0 : index
      %get3A_185 = arith.constant 0 : index
      %get3A_186 = vector.load %arg1[%get3A_184, %get3A_185] : memref<32x64xf32, #tpu.memory_space<vmem>>, vector<32x64xf32>
      %mul3A_187 = arith.mulf %get3A_186, %get3A_186 : vector<32x64xf32>
      %reduce_sum3A_188 = arith.constant dense<0.000000e+00> : vector<32xf32>
      %reduce_sum3A_189 = vector.multi_reduction <add>, %mul3A_187, %reduce_sum3A_188 [1] : vector<32x64xf32> to vector<32xf32>
      %broadcast_in_dim3A_190 = vector.shape_cast %reduce_sum3A_189 : vector<32xf32> to vector<32x1xf32>
      %sqrt3A_191 = math.sqrt %broadcast_in_dim3A_190 : vector<32x1xf32>
      %max3A_192 = arith.constant 9.99999996E-13 : f32
      %max3A_193 = vector.broadcast %max3A_192 : f32 to vector<32x1xf32>
      %max3A_194 = arith.maximumf %sqrt3A_191, %max3A_193 : vector<32x1xf32>
      %div3A_195 = vector.broadcast %max3A_194 : vector<32x1xf32> to vector<32x64xf32>
      %div3A_196 = arith.divf %get3A_186, %div3A_195 : vector<32x64xf32>
      %swap3A_197 = arith.constant 0 : index
      %swap3A_198 = arith.constant 0 : index
      %swap3A_199 = vector.load %arg7[%swap3A_197, %swap3A_198] : memref<32x64xf32, #tpu.memory_space<vmem>>, vector<32x64xf32>
      tpu.vector_store %arg7[%swap3A_197, %swap3A_198], %div3A_196 {strides = array<i32>} : memref<32x64xf32, #tpu.memory_space<vmem>>, vector<32x64xf32>,
    } else {
    }
    %get3A = arith.constant 0 : index
    %get3A_2 = arith.constant 0 : index
    %get3A_3 = vector.load %arg7[%get3A, %get3A_2] : memref<32x64xf32, #tpu.memory_space<vmem>>, vector<32x64xf32>
    %get3A_4 = arith.constant 0 : index
    %get3A_5 = arith.constant 0 : index
    %get3A_6 = vector.load %arg2[%get3A_4, %get3A_5] : memref<64x16384xf32, #tpu.memory_space<vmem>>, vector<64x16384xf32>
    %mul3A = arith.mulf %get3A_6, %get3A_6 : vector<64x16384xf32>
    %reduce_sum3A = arith.constant dense<0.000000e+00> : vector<16384xf32>
    %reduce_sum3A_7 = vector.multi_reduction <add>, %mul3A, %reduce_sum3A [0] : vector<64x16384xf32> to vector<16384xf32>
    %broadcast_in_dim3A = vector.shape_cast %reduce_sum3A_7 : vector<16384xf32> to vector<1x16384xf32>
    %sqrt3A = math.sqrt %broadcast_in_dim3A : vector<1x16384xf32>
    %max3A = arith.constant 9.99999996E-13 : f32
    %max3A_8 = vector.broadcast %max3A : f32 to vector<1x16384xf32>
    %max3A_9 = arith.maximumf %sqrt3A, %max3A_8 : vector<1x16384xf32>
    %div3A = vector.broadcast %max3A_9 : vector<1x16384xf32> to vector<64x16384xf32>
    %div3A_10 = arith.divf %get3A_6, %div3A : vector<64x16384xf32>
    %dot_general3A = arith.constant dense<0.000000e+00> : vector<32x16384xf32>
    %dot_general3A_11 = tpu.matmul %get3A_3, %div3A_10, %dot_general3A {dimension_numbers = #tpu.dot_dimension_numbers<[1], [0], [0], [1], [0, 0, 1, 1], [], []>, transpose_lhs_hint = false} : vector<32x64xf32>, vector<64x16384xf32>, vector<32x16384xf32> -> vector<32x16384xf32>
    %iota3A = tpu.iota {dimensions = array<i32: 1>} : vector<32x16384xi32>
    %convert_element_type3A_12 = arith.sitofp %iota3A : vector<32x16384xi32> to vector<32x16384xf32>
    %mul3A_13 = arith.constant 16384 : i32
    %mul3A_14 = arith.muli %arg0, %mul3A_13 : i32
    %convert_element_type3A_15 = arith.sitofp %mul3A_14 : i32 to f32
    %add3A = vector.broadcast %convert_element_type3A_15 : f32 to vector<32x16384xf32>
    %add3A_16 = arith.addf %convert_element_type3A_12, %add3A : vector<32x16384xf32>
    %lt3A = arith.constant 5.000000e+05 : f32
    %lt3A_17 = vector.broadcast %lt3A : f32 to vector<32x16384xf32>
    %lt3A_18 = arith.cmpf olt, %add3A_16, %lt3A_17 : vector<32x16384xf32>
    %jit3A = arith.constant 0xFF800000 : f32
    %broadcast_in_dim3A_19 = vector.broadcast %jit3A : f32 to vector<32x16384xf32>
    %select_n3A = arith.select %lt3A_18, %dot_general3A_11, %broadcast_in_dim3A_19 : vector<32x16384xi1>, vector<32x16384xf32>
    %get3A_20 = arith.constant 0 : index
    %get3A_21 = arith.constant 0 : index
    %get3A_22 = vector.load %arg5[%get3A_20, %get3A_21] : memref<32x8xf32, #tpu.memory_space<vmem>>, vector<32x8xf32>
    %concatenate3A = tpu.concatenate %get3A_22, %select_n3A in 1 : vector<32x8xf32>, vector<32x16384xf32> -> vector<32x16392xf32>
    %get3A_23 = arith.constant 0 : index
    %get3A_24 = arith.constant 0 : index
    %get3A_25 = vector.load %arg6[%get3A_23, %get3A_24] : memref<32x8xf32, #tpu.memory_space<vmem>>, vector<32x8xf32>
    %concatenate3A_26 = tpu.concatenate %get3A_25, %add3A_16 in 1 : vector<32x8xf32>, vector<32x16384xf32> -> vector<32x16392xf32>
    %reduce_max3A = arith.constant dense<0xFF800000> : vector<32xf32>
    %reduce_max3A_27 = vector.multi_reduction <maximumf>, %concatenate3A, %reduce_max3A [1] : vector<32x16392xf32> to vector<32xf32>
    %broadcast_in_dim3A_28 = vector.shape_cast %reduce_max3A_27 : vector<32xf32> to vector<32x1xf32>
    %eq3A_29 = vector.broadcast %broadcast_in_dim3A_28 : vector<32x1xf32> to vector<32x16392xf32>
    %eq3A_30 = arith.cmpf oeq, %concatenate3A, %eq3A_29 : vector<32x16392xf32>
    %jit3A_31 = arith.constant 0x4C000000 : f32
    %broadcast_in_dim3A_32 = vector.broadcast %jit3A_31 : f32 to vector<32x16392xf32>
    %select_n3A_33 = arith.select %eq3A_30, %concatenate3A_26, %broadcast_in_dim3A_32 : vector<32x16392xi1>, vector<32x16392xf32>
    %reduce_min3A = arith.constant dense<0x7F800000> : vector<32xf32>
    %reduce_min3A_34 = vector.multi_reduction <minimumf>, %select_n3A_33, %reduce_min3A [1] : vector<32x16392xf32> to vector<32xf32>
    %broadcast_in_dim3A_35 = vector.shape_cast %reduce_min3A_34 : vector<32xf32> to vector<32x1xf32>
    %eq3A_36 = vector.broadcast %broadcast_in_dim3A_35 : vector<32x1xf32> to vector<32x16392xf32>
    %eq3A_37 = arith.cmpf oeq, %concatenate3A_26, %eq3A_36 : vector<32x16392xf32>
    %jit3A_38 = arith.constant 0xFF800000 : f32
    %broadcast_in_dim3A_39 = vector.broadcast %jit3A_38 : f32 to vector<32x16392xf32>
    %select_n3A_40 = arith.select %eq3A_37, %broadcast_in_dim3A_39, %concatenate3A : vector<32x16392xi1>, vector<32x16392xf32>
    %reduce_max3A_41 = arith.constant dense<0xFF800000> : vector<32xf32>
    %reduce_max3A_42 = vector.multi_reduction <maximumf>, %select_n3A_40, %reduce_max3A_41 [1] : vector<32x16392xf32> to vector<32xf32>
    %broadcast_in_dim3A_43 = vector.shape_cast %reduce_max3A_42 : vector<32xf32> to vector<32x1xf32>
    %eq3A_44 = vector.broadcast %broadcast_in_dim3A_43 : vector<32x1xf32> to vector<32x16392xf32>
    %eq3A_45 = arith.cmpf oeq, %select_n3A_40, %eq3A_44 : vector<32x16392xf32>
    %jit3A_46 = arith.constant 0x4C000000 : f32
    %broadcast_in_dim3A_47 = vector.broadcast %jit3A_46 : f32 to vector<32x16392xf32>
    %select_n3A_48 = arith.select %eq3A_45, %concatenate3A_26, %broadcast_in_dim3A_47 : vector<32x16392xi1>, vector<32x16392xf32>
    %reduce_min3A_49 = arith.constant dense<0x7F800000> : vector<32xf32>
    %reduce_min3A_50 = vector.multi_reduction <minimumf>, %select_n3A_48, %reduce_min3A_49 [1] : vector<32x16392xf32> to vector<32xf32>
    %broadcast_in_dim3A_51 = vector.shape_cast %reduce_min3A_50 : vector<32xf32> to vector<32x1xf32>
    %eq3A_52 = vector.broadcast %broadcast_in_dim3A_51 : vector<32x1xf32> to vector<32x16392xf32>
    %eq3A_53 = arith.cmpf oeq, %concatenate3A_26, %eq3A_52 : vector<32x16392xf32>
    %jit3A_54 = arith.constant 0xFF800000 : f32
    %broadcast_in_dim3A_55 = vector.broadcast %jit3A_54 : f32 to vector<32x16392xf32>
    %select_n3A_56 = arith.select %eq3A_53, %broadcast_in_dim3A_55, %select_n3A_40 : vector<32x16392xi1>, vector<32x16392xf32>
    %reduce_max3A_57 = arith.constant dense<0xFF800000> : vector<32xf32>
    %reduce_max3A_58 = vector.multi_reduction <maximumf>, %select_n3A_56, %reduce_max3A_57 [1] : vector<32x16392xf32> to vector<32xf32>
    %broadcast_in_dim3A_59 = vector.shape_cast %reduce_max3A_58 : vector<32xf32> to vector<32x1xf32>
    %eq3A_60 = vector.broadcast %broadcast_in_dim3A_59 : vector<32x1xf32> to vector<32x16392xf32>
    %eq3A_61 = arith.cmpf oeq, %select_n3A_56, %eq3A_60 : vector<32x16392xf32>
    %jit3A_62 = arith.constant 0x4C000000 : f32
    %broadcast_in_dim3A_63 = vector.broadcast %jit3A_62 : f32 to vector<32x16392xf32>
    %select_n3A_64 = arith.select %eq3A_61, %concatenate3A_26, %broadcast_in_dim3A_63 : vector<32x16392xi1>, vector<32x16392xf32>
    %reduce_min3A_65 = arith.constant dense<0x7F800000> : vector<32xf32>
    %reduce_min3A_66 = vector.multi_reduction <minimumf>, %select_n3A_64, %reduce_min3A_65 [1] : vector<32x16392xf32> to vector<32xf32>
    %broadcast_in_dim3A_67 = vector.shape_cast %reduce_min3A_66 : vector<32xf32> to vector<32x1xf32>
    %eq3A_68 = vector.broadcast %broadcast_in_dim3A_67 : vector<32x1xf32> to vector<32x16392xf32>
    %eq3A_69 = arith.cmpf oeq, %concatenate3A_26, %eq3A_68 : vector<32x16392xf32>
    %jit3A_70 = arith.constant 0xFF800000 : f32
    %broadcast_in_dim3A_71 = vector.broadcast %jit3A_70 : f32 to vector<32x16392xf32>
    %select_n3A_72 = arith.select %eq3A_69, %broadcast_in_dim3A_71, %select_n3A_56 : vector<32x16392xi1>, vector<32x16392xf32>
    %reduce_max3A_73 = arith.constant dense<0xFF800000> : vector<32xf32>
    %reduce_max3A_74 = vector.multi_reduction <maximumf>, %select_n3A_72, %reduce_max3A_73 [1] : vector<32x16392xf32> to vector<32xf32>
    %broadcast_in_dim3A_75 = vector.shape_cast %reduce_max3A_74 : vector<32xf32> to vector<32x1xf32>
    %eq3A_76 = vector.broadcast %broadcast_in_dim3A_75 : vector<32x1xf32> to vector<32x16392xf32>
    %eq3A_77 = arith.cmpf oeq, %select_n3A_72, %eq3A_76 : vector<32x16392xf32>
    %jit3A_78 = arith.constant 0x4C000000 : f32
    %broadcast_in_dim3A_79 = vector.broadcast %jit3A_78 : f32 to vector<32x16392xf32>
    %select_n3A_80 = arith.select %eq3A_77, %concatenate3A_26, %broadcast_in_dim3A_79 : vector<32x16392xi1>, vector<32x16392xf32>
    %reduce_min3A_81 = arith.constant dense<0x7F800000> : vector<32xf32>
    %reduce_min3A_82 = vector.multi_reduction <minimumf>, %select_n3A_80, %reduce_min3A_81 [1] : vector<32x16392xf32> to vector<32xf32>
    %broadcast_in_dim3A_83 = vector.shape_cast %reduce_min3A_82 : vector<32xf32> to vector<32x1xf32>
    %eq3A_84 = vector.broadcast %broadcast_in_dim3A_83 : vector<32x1xf32> to vector<32x16392xf32>
    %eq3A_85 = arith.cmpf oeq, %concatenate3A_26, %eq3A_84 : vector<32x16392xf32>
    %jit3A_86 = arith.constant 0xFF800000 : f32
    %broadcast_in_dim3A_87 = vector.broadcast %jit3A_86 : f32 to vector<32x16392xf32>
    %select_n3A_88 = arith.select %eq3A_85, %broadcast_in_dim3A_87, %select_n3A_72 : vector<32x16392xi1>, vector<32x16392xf32>
    %reduce_max3A_89 = arith.constant dense<0xFF800000> : vector<32xf32>
    %reduce_max3A_90 = vector.multi_reduction <maximumf>, %select_n3A_88, %reduce_max3A_89 [1] : vector<32x16392xf32> to vector<32xf32>
    %broadcast_in_dim3A_91 = vector.shape_cast %reduce_max3A_90 : vector<32xf32> to vector<32x1xf32>
    %eq3A_92 = vector.broadcast %broadcast_in_dim3A_91 : vector<32x1xf32> to vector<32x16392xf32>
    %eq3A_93 = arith.cmpf oeq, %select_n3A_88, %eq3A_92 : vector<32x16392xf32>
    %jit3A_94 = arith.constant 0x4C000000 : f32
    %broadcast_in_dim3A_95 = vector.broadcast %jit3A_94 : f32 to vector<32x16392xf32>
    %select_n3A_96 = arith.select %eq3A_93, %concatenate3A_26, %broadcast_in_dim3A_95 : vector<32x16392xi1>, vector<32x16392xf32>
    %reduce_min3A_97 = arith.constant dense<0x7F800000> : vector<32xf32>
    %reduce_min3A_98 = vector.multi_reduction <minimumf>, %select_n3A_96, %reduce_min3A_97 [1] : vector<32x16392xf32> to vector<32xf32>
    %broadcast_in_dim3A_99 = vector.shape_cast %reduce_min3A_98 : vector<32xf32> to vector<32x1xf32>
    %eq3A_100 = vector.broadcast %broadcast_in_dim3A_99 : vector<32x1xf32> to vector<32x16392xf32>
    %eq3A_101 = arith.cmpf oeq, %concatenate3A_26, %eq3A_100 : vector<32x16392xf32>
    %jit3A_102 = arith.constant 0xFF800000 : f32
    %broadcast_in_dim3A_103 = vector.broadcast %jit3A_102 : f32 to vector<32x16392xf32>
    %select_n3A_104 = arith.select %eq3A_101, %broadcast_in_dim3A_103, %select_n3A_88 : vector<32x16392xi1>, vector<32x16392xf32>
    %reduce_max3A_105 = arith.constant dense<0xFF800000> : vector<32xf32>
    %reduce_max3A_106 = vector.multi_reduction <maximumf>, %select_n3A_104, %reduce_max3A_105 [1] : vector<32x16392xf32> to vector<32xf32>
    %broadcast_in_dim3A_107 = vector.shape_cast %reduce_max3A_106 : vector<32xf32> to vector<32x1xf32>
    %eq3A_108 = vector.broadcast %broadcast_in_dim3A_107 : vector<32x1xf32> to vector<32x16392xf32>
    %eq3A_109 = arith.cmpf oeq, %select_n3A_104, %eq3A_108 : vector<32x16392xf32>
    %jit3A_110 = arith.constant 0x4C000000 : f32
    %broadcast_in_dim3A_111 = vector.broadcast %jit3A_110 : f32 to vector<32x16392xf32>
    %select_n3A_112 = arith.select %eq3A_109, %concatenate3A_26, %broadcast_in_dim3A_111 : vector<32x16392xi1>, vector<32x16392xf32>
    %reduce_min3A_113 = arith.constant dense<0x7F800000> : vector<32xf32>
    %reduce_min3A_114 = vector.multi_reduction <minimumf>, %select_n3A_112, %reduce_min3A_113 [1] : vector<32x16392xf32> to vector<32xf32>
    %broadcast_in_dim3A_115 = vector.shape_cast %reduce_min3A_114 : vector<32xf32> to vector<32x1xf32>
    %eq3A_116 = vector.broadcast %broadcast_in_dim3A_115 : vector<32x1xf32> to vector<32x16392xf32>
    %eq3A_117 = arith.cmpf oeq, %concatenate3A_26, %eq3A_116 : vector<32x16392xf32>
    %jit3A_118 = arith.constant 0xFF800000 : f32
    %broadcast_in_dim3A_119 = vector.broadcast %jit3A_118 : f32 to vector<32x16392xf32>
    %select_n3A_120 = arith.select %eq3A_117, %broadcast_in_dim3A_119, %select_n3A_104 : vector<32x16392xi1>, vector<32x16392xf32>
    %reduce_max3A_121 = arith.constant dense<0xFF800000> : vector<32xf32>
    %reduce_max3A_122 = vector.multi_reduction <maximumf>, %select_n3A_120, %reduce_max3A_121 [1] : vector<32x16392xf32> to vector<32xf32>
    %broadcast_in_dim3A_123 = vector.shape_cast %reduce_max3A_122 : vector<32xf32> to vector<32x1xf32>
    %eq3A_124 = vector.broadcast %broadcast_in_dim3A_123 : vector<32x1xf32> to vector<32x16392xf32>
    %eq3A_125 = arith.cmpf oeq, %select_n3A_120, %eq3A_124 : vector<32x16392xf32>
    %jit3A_126 = arith.constant 0x4C000000 : f32
    %broadcast_in_dim3A_127 = vector.broadcast %jit3A_126 : f32 to vector<32x16392xf32>
    %select_n3A_128 = arith.select %eq3A_125, %concatenate3A_26, %broadcast_in_dim3A_127 : vector<32x16392xi1>, vector<32x16392xf32>
    %reduce_min3A_129 = arith.constant dense<0x7F800000> : vector<32xf32>
    %reduce_min3A_130 = vector.multi_reduction <minimumf>, %select_n3A_128, %reduce_min3A_129 [1] : vector<32x16392xf32> to vector<32xf32>
    %broadcast_in_dim3A_131 = vector.shape_cast %reduce_min3A_130 : vector<32xf32> to vector<32x1xf32>
    %eq3A_132 = vector.broadcast %broadcast_in_dim3A_131 : vector<32x1xf32> to vector<32x16392xf32>
    %eq3A_133 = arith.cmpf oeq, %concatenate3A_26, %eq3A_132 : vector<32x16392xf32>
    %jit3A_134 = arith.constant 0xFF800000 : f32
    %broadcast_in_dim3A_135 = vector.broadcast %jit3A_134 : f32 to vector<32x16392xf32>
    %select_n3A_136 = arith.select %eq3A_133, %broadcast_in_dim3A_135, %select_n3A_120 : vector<32x16392xi1>, vector<32x16392xf32>
    %reduce_max3A_137 = arith.constant dense<0xFF800000> : vector<32xf32>
    %reduce_max3A_138 = vector.multi_reduction <maximumf>, %select_n3A_136, %reduce_max3A_137 [1] : vector<32x16392xf32> to vector<32xf32>
    %broadcast_in_dim3A_139 = vector.shape_cast %reduce_max3A_138 : vector<32xf32> to vector<32x1xf32>
    %eq3A_140 = vector.broadcast %broadcast_in_dim3A_139 : vector<32x1xf32> to vector<32x16392xf32>
    %eq3A_141 = arith.cmpf oeq, %select_n3A_136, %eq3A_140 : vector<32x16392xf32>
    %jit3A_142 = arith.constant 0x4C000000 : f32
    %broadcast_in_dim3A_143 = vector.broadcast %jit3A_142 : f32 to vector<32x16392xf32>
    %select_n3A_144 = arith.select %eq3A_141, %concatenate3A_26, %broadcast_in_dim3A_143 : vector<32x16392xi1>, vector<32x16392xf32>
    %reduce_min3A_145 = arith.constant dense<0x7F800000> : vector<32xf32>
    %reduce_min3A_146 = vector.multi_reduction <minimumf>, %select_n3A_144, %reduce_min3A_145 [1] : vector<32x16392xf32> to vector<32xf32>
    %stack3A = vector.shape_cast %reduce_max3A_27 : vector<32xf32> to vector<32x1xf32>
    %stack3A_147 = vector.shape_cast %reduce_max3A_42 : vector<32xf32> to vector<32x1xf32>
    %stack3A_148 = vector.shape_cast %reduce_max3A_58 : vector<32xf32> to vector<32x1xf32>
    %stack3A_149 = vector.shape_cast %reduce_max3A_74 : vector<32xf32> to vector<32x1xf32>
    %stack3A_150 = vector.shape_cast %reduce_max3A_90 : vector<32xf32> to vector<32x1xf32>
    %stack3A_151 = vector.shape_cast %reduce_max3A_106 : vector<32xf32> to vector<32x1xf32>
    %stack3A_152 = vector.shape_cast %reduce_max3A_122 : vector<32xf32> to vector<32x1xf32>
    %stack3A_153 = vector.shape_cast %reduce_max3A_138 : vector<32xf32> to vector<32x1xf32>
    %stack3A_154 = tpu.concatenate %stack3A, %stack3A_147, %stack3A_148, %stack3A_149, %stack3A_150, %stack3A_151, %stack3A_152, %stack3A_153 in 1 : vector<32x1xf32>, vector<32x1xf32>, vector<32x1xf32>, vector<32x1xf32>, vector<32x1xf32>, vector<32x1xf32>, vector<32x1xf32>, vector<32x1xf32> -> vector<32x8xf32>
    %stack3A_155 = vector.shape_cast %reduce_min3A_34 : vector<32xf32> to vector<32x1xf32>
    %stack3A_156 = vector.shape_cast %reduce_min3A_50 : vector<32xf32> to vector<32x1xf32>
    %stack3A_157 = vector.shape_cast %reduce_min3A_66 : vector<32xf32> to vector<32x1xf32>
    %stack3A_158 = vector.shape_cast %reduce_min3A_82 : vector<32xf32> to vector<32x1xf32>
    %stack3A_159 = vector.shape_cast %reduce_min3A_98 : vector<32xf32> to vector<32x1xf32>
    %stack3A_160 = vector.shape_cast %reduce_min3A_114 : vector<32xf32> to vector<32x1xf32>
    %stack3A_161 = vector.shape_cast %reduce_min3A_130 : vector<32xf32> to vector<32x1xf32>
    %stack3A_162 = vector.shape_cast %reduce_min3A_146 : vector<32xf32> to vector<32x1xf32>
    %stack3A_163 = tpu.concatenate %stack3A_155, %stack3A_156, %stack3A_157, %stack3A_158, %stack3A_159, %stack3A_160, %stack3A_161, %stack3A_162 in 1 : vector<32x1xf32>, vector<32x1xf32>, vector<32x1xf32>, vector<32x1xf32>, vector<32x1xf32>, vector<32x1xf32>, vector<32x1xf32>, vector<32x1xf32> -> vector<32x8xf32>
    %swap3A = arith.constant 0 : index
    %swap3A_164 = arith.constant 0 : index
    %swap3A_165 = vector.load %arg5[%swap3A, %swap3A_164] : memref<32x8xf32, #tpu.memory_space<vmem>>, vector<32x8xf32>
    tpu.vector_store %arg5[%swap3A, %swap3A_164], %stack3A_154 {strides = array<i32>} : memref<32x8xf32, #tpu.memory_space<vmem>>, vector<32x8xf32>,
    %swap3A_166 = arith.constant 0 : index
    %swap3A_167 = arith.constant 0 : index
    %swap3A_168 = vector.load %arg6[%swap3A_166, %swap3A_167] : memref<32x8xf32, #tpu.memory_space<vmem>>, vector<32x8xf32>
    tpu.vector_store %arg6[%swap3A_166, %swap3A_167], %stack3A_163 {strides = array<i32>} : memref<32x8xf32, #tpu.memory_space<vmem>>, vector<32x8xf32>,
    %eq3A_169 = arith.constant 30 : i32
    %eq3A_170 = arith.cmpi eq, %arg0, %eq3A_169 : i32
    %convert_element_type3A_171 = arith.extui %eq3A_170 : i1 to i32
    %cond3A_172 = arith.constant 0 : i32
    %cond3A_173 = arith.cmpi ne, %convert_element_type3A_171, %cond3A_172 : i32
    scf.if %cond3A_173 {
      %swap3A_174 = arith.constant 0 : index
      %swap3A_175 = arith.constant 0 : index
      %swap3A_176 = vector.load %arg3[%swap3A_174, %swap3A_175] : memref<32x8xf32, #tpu.memory_space<vmem>>, vector<32x8xf32>
      tpu.vector_store %arg3[%swap3A_174, %swap3A_175], %stack3A_154 {strides = array<i32>} : memref<32x8xf32, #tpu.memory_space<vmem>>, vector<32x8xf32>,
      %convert_element_type3A_177 = arith.fptosi %stack3A_163 : vector<32x8xf32> to vector<32x8xi32>
      %swap3A_178 = arith.constant 0 : index
      %swap3A_179 = arith.constant 0 : index
      %swap3A_180 = vector.load %arg4[%swap3A_178, %swap3A_179] : memref<32x8xi32, #tpu.memory_space<vmem>>, vector<32x8xi32>
      tpu.vector_store %arg4[%swap3A_178, %swap3A_179], %convert_element_type3A_177 {strides = array<i32>} : memref<32x8xi32, #tpu.memory_space<vmem>>, vector<32x8xi32>,
    } else {
    }
    return
  }
  func.func @transform_0(%arg0: i32) -> (i32, i32) {
    %c0_i32 = arith.constant 0 : i32
    %c0_i32_0 = arith.constant 0 : i32
    %c0_i32_1 = arith.constant 0 : i32
    return %c0_i32, %c0_i32_0 : i32, i32
  }
  func.func @transform_1(%arg0: i32) -> (i32, i32) {
    %c0_i32 = arith.constant 0 : i32
    %c0_i32_0 = arith.constant 0 : i32
    return %c0_i32, %arg0 : i32, i32
  }
  func.func @transform_2(%arg0: i32) -> (i32, i32) {
    %c0_i32 = arith.constant 0 : i32
    %c0_i32_0 = arith.constant 0 : i32
    %c0_i32_1 = arith.constant 0 : i32
    return %c0_i32, %c0_i32_0 : i32, i32
  }
  func.func @transform_3(%arg0: i32) -> (i32, i32) {
    %c0_i32 = arith.constant 0 : i32
    %c0_i32_0 = arith.constant 0 : i32
    %c0_i32_1 = arith.constant 0 : i32
    return %c0_i32, %c0_i32_0 : i32, i32
  }
}

module attributes {stable_mosaic.version = 14 : i64} {
  func.func @_kgather_body(%arg0: i32, %arg1: memref<256xi32, #tpu.memory_space<smem>>, %arg2: memref<256xi32, #tpu.memory_space<smem>>, %arg3: memref<64x128xf32, #tpu.memory_space<vmem>>, %arg4: memref<64x128xf32, #tpu.memory_space<vmem>>) attributes {dimension_semantics = [#tpu.dimension_semantics<arbitrary>], iteration_bounds = array<i64: 256>, scalar_prefetch = 2 : i64, scratch_operands = 0 : i64, tpu.core_type = #tpu.core_type<tc>, window_params = [{transform_indices = @transform_0, window_bounds = array<i64: 64, 128>}, {transform_indices = @transform_1, window_bounds = array<i64: 64, 128>}]} {
    %jit3A = arith.constant 128 : i32
    %eq3A = arith.constant 0 : i32
    %eq3A_0 = arith.cmpi eq, %jit3A, %eq3A : i32
    %jit3A_1 = arith.constant 1 : i32
    %select_n3A = arith.select %eq3A_0, %jit3A_1, %jit3A : i32
    %rem3A = arith.remsi %arg0, %select_n3A : i32
    %ne3A = arith.constant 0 : i32
    %ne3A_2 = arith.cmpi ne, %rem3A, %ne3A : i32
    %lt3A = arith.constant 0 : i32
    %lt3A_3 = arith.cmpi slt, %rem3A, %lt3A : i32
    %lt3A_4 = arith.constant 0 : i32
    %lt3A_5 = arith.cmpi slt, %select_n3A, %lt3A_4 : i32
    %ne3A_6 = arith.xori %lt3A_3, %lt3A_5 : i1
    %and3A = arith.andi %ne3A_6, %ne3A_2 : i1
    %add3A = arith.addi %rem3A, %select_n3A : i32
    %select_n3A_7 = arith.select %and3A, %add3A, %rem3A : i32
    %eq3A_8 = arith.constant 0 : i32
    %eq3A_9 = arith.cmpi eq, %select_n3A_7, %eq3A_8 : i32
    %convert_element_type3A = arith.extui %eq3A_9 : i1 to i32
    %cond3A = arith.constant 0 : i32
    %cond3A_10 = arith.cmpi ne, %convert_element_type3A, %cond3A : i32
    scf.if %cond3A_10 {
      %broadcast_in_dim3A_63 = arith.constant 0.000000e+00 : f32
      %broadcast_in_dim3A_64 = vector.broadcast %broadcast_in_dim3A_63 : f32 to vector<64x128xf32>
      %swap3A_65 = arith.constant 0 : index
      %swap3A_66 = arith.constant 0 : index
      %swap3A_67 = vector.load %arg4[%swap3A_65, %swap3A_66] : memref<64x128xf32, #tpu.memory_space<vmem>>, vector<64x128xf32>
      tpu.vector_store %arg4[%swap3A_65, %swap3A_66], %broadcast_in_dim3A_64 {strides = array<i32>} : memref<64x128xf32, #tpu.memory_space<vmem>>, vector<64x128xf32>,
    } else {
    }
    %get3A = arith.constant 0 : index
    %get3A_11 = arith.constant 0 : index
    %get3A_12 = vector.load %arg3[%get3A, %get3A_11] : memref<64x128xf32, #tpu.memory_space<vmem>>, vector<64x128xf32>
    %get3A_13 = arith.index_cast %arg0 : i32 to index
    %get3A_14 = memref.load %arg2[%get3A_13] : memref<256xi32, #tpu.memory_space<smem>>
    %iota3A = tpu.iota {dimensions = array<i32: 1>} : vector<1x128xi32>
    %eq3A_15 = vector.broadcast %get3A_14 : i32 to vector<1x128xi32>
    %eq3A_16 = arith.cmpi eq, %iota3A, %eq3A_15 : vector<1x128xi32>
    %jit3A_17 = arith.constant 0.000000e+00 : f32
    %broadcast_in_dim3A = vector.shape_cast %eq3A_16 : vector<1x128xi1> to vector<1x128xi1>
    %broadcast_in_dim3A_18 = vector.broadcast %broadcast_in_dim3A : vector<1x128xi1> to vector<64x128xi1>
    %broadcast_in_dim3A_19 = vector.broadcast %jit3A_17 : f32 to vector<64x128xf32>
    %select_n3A_20 = arith.select %broadcast_in_dim3A_18, %get3A_12, %broadcast_in_dim3A_19 : vector<64x128xi1>, vector<64x128xf32>
    %mul3A = arith.mulf %select_n3A_20, %select_n3A_20 : vector<64x128xf32>
    %reduce_sum3A = vector.shape_cast %mul3A : vector<64x128xf32> to vector<1x64x128xf32>
    %reduce_sum3A_21 = arith.constant dense<0.000000e+00> : vector<1xf32>
    %reduce_sum3A_22 = vector.multi_reduction <add>, %reduce_sum3A, %reduce_sum3A_21 [1, 2] : vector<1x64x128xf32> to vector<1xf32>
    %reduce_sum3A_23 = vector.shape_cast %reduce_sum3A_22 : vector<1xf32> to vector<1x1x1xf32>
    %reduce_sum3A_24 = vector.extract %reduce_sum3A_23[0, 0, 0] : f32 from vector<1x1x1xf32>
    %sqrt3A = math.sqrt %reduce_sum3A_24 : f32
    %max3A = arith.constant 9.99999996E-13 : f32
    %max3A_25 = arith.maximumf %sqrt3A, %max3A : f32
    %div3A = arith.constant 1.000000e+00 : f32
    %div3A_26 = arith.divf %div3A, %max3A_25 : f32
    %reduce_sum3A_27 = arith.constant dense<0.000000e+00> : vector<64xf32>
    %reduce_sum3A_28 = vector.multi_reduction <add>, %select_n3A_20, %reduce_sum3A_27 [1] : vector<64x128xf32> to vector<64xf32>
    %broadcast_in_dim3A_29 = vector.shape_cast %reduce_sum3A_28 : vector<64xf32> to vector<64x1xf32>
    %mul3A_30 = vector.broadcast %div3A_26 : f32 to vector<64x1xf32>
    %mul3A_31 = arith.mulf %broadcast_in_dim3A_29, %mul3A_30 : vector<64x1xf32>
    %get3A_32 = arith.constant 0 : index
    %get3A_33 = arith.constant 0 : index
    %get3A_34 = vector.load %arg4[%get3A_32, %get3A_33] : memref<64x128xf32, #tpu.memory_space<vmem>>, vector<64x128xf32>
    %jit3A_35 = arith.constant 128 : i32
    %eq3A_36 = arith.constant 0 : i32
    %eq3A_37 = arith.cmpi eq, %jit3A_35, %eq3A_36 : i32
    %jit3A_38 = arith.constant 1 : i32
    %select_n3A_39 = arith.select %eq3A_37, %jit3A_38, %jit3A_35 : i32
    %rem3A_40 = arith.remsi %arg0, %select_n3A_39 : i32
    %ne3A_41 = arith.constant 0 : i32
    %ne3A_42 = arith.cmpi ne, %rem3A_40, %ne3A_41 : i32
    %lt3A_43 = arith.constant 0 : i32
    %lt3A_44 = arith.cmpi slt, %rem3A_40, %lt3A_43 : i32
    %lt3A_45 = arith.constant 0 : i32
    %lt3A_46 = arith.cmpi slt, %select_n3A_39, %lt3A_45 : i32
    %ne3A_47 = arith.xori %lt3A_44, %lt3A_46 : i1
    %and3A_48 = arith.andi %ne3A_47, %ne3A_42 : i1
    %add3A_49 = arith.addi %rem3A_40, %select_n3A_39 : i32
    %select_n3A_50 = arith.select %and3A_48, %add3A_49, %rem3A_40 : i32
    %eq3A_51 = vector.broadcast %select_n3A_50 : i32 to vector<1x128xi32>
    %eq3A_52 = arith.cmpi eq, %iota3A, %eq3A_51 : vector<1x128xi32>
    %jit3A_53 = arith.constant 0.000000e+00 : f32
    %broadcast_in_dim3A_54 = vector.shape_cast %eq3A_52 : vector<1x128xi1> to vector<1x128xi1>
    %broadcast_in_dim3A_55 = vector.broadcast %broadcast_in_dim3A_54 : vector<1x128xi1> to vector<64x128xi1>
    %broadcast_in_dim3A_56 = vector.shape_cast %mul3A_31 : vector<64x1xf32> to vector<64x1xf32>
    %broadcast_in_dim3A_57 = vector.broadcast %broadcast_in_dim3A_56 : vector<64x1xf32> to vector<64x128xf32>
    %broadcast_in_dim3A_58 = vector.broadcast %jit3A_53 : f32 to vector<64x128xf32>
    %select_n3A_59 = arith.select %broadcast_in_dim3A_55, %broadcast_in_dim3A_57, %broadcast_in_dim3A_58 : vector<64x128xi1>, vector<64x128xf32>
    %add3A_60 = arith.addf %get3A_34, %select_n3A_59 : vector<64x128xf32>
    %swap3A = arith.constant 0 : index
    %swap3A_61 = arith.constant 0 : index
    %swap3A_62 = vector.load %arg4[%swap3A, %swap3A_61] : memref<64x128xf32, #tpu.memory_space<vmem>>, vector<64x128xf32>
    tpu.vector_store %arg4[%swap3A, %swap3A_61], %add3A_60 {strides = array<i32>} : memref<64x128xf32, #tpu.memory_space<vmem>>, vector<64x128xf32>,
    return
  }
  func.func @transform_0(%arg0: i32, %arg1: memref<256xi32, #tpu.memory_space<smem>>, %arg2: memref<256xi32, #tpu.memory_space<smem>>) -> (i32, i32) {
    %get3A = arith.index_cast %arg0 : i32 to index
    %get3A_0 = memref.load %arg1[%get3A] : memref<256xi32, #tpu.memory_space<smem>>
    %c0_i32 = arith.constant 0 : i32
    %c0_i32_1 = arith.constant 0 : i32
    return %c0_i32, %get3A_0 : i32, i32
  }
  func.func @transform_1(%arg0: i32, %arg1: memref<256xi32, #tpu.memory_space<smem>>, %arg2: memref<256xi32, #tpu.memory_space<smem>>) -> (i32, i32) {
    %jit3A = arith.constant 128 : i32
    %div3A = arith.divsi %arg0, %jit3A : i32
    %sign3A = arith.constant 0 : i32
    %sign3A_0 = arith.cmpi sgt, %arg0, %sign3A : i32
    %sign3A_1 = arith.extui %sign3A_0 : i1 to i32
    %sign3A_2 = arith.constant 0 : i32
    %sign3A_3 = arith.cmpi slt, %arg0, %sign3A_2 : i32
    %sign3A_4 = arith.extui %sign3A_3 : i1 to i32
    %sign3A_5 = arith.subi %sign3A_1, %sign3A_4 : i32
    %sign3A_6 = arith.constant 0 : i32
    %sign3A_7 = arith.cmpi sgt, %jit3A, %sign3A_6 : i32
    %sign3A_8 = arith.extui %sign3A_7 : i1 to i32
    %sign3A_9 = arith.constant 0 : i32
    %sign3A_10 = arith.cmpi slt, %jit3A, %sign3A_9 : i32
    %sign3A_11 = arith.extui %sign3A_10 : i1 to i32
    %sign3A_12 = arith.subi %sign3A_8, %sign3A_11 : i32
    %ne3A = arith.cmpi ne, %sign3A_5, %sign3A_12 : i32
    %rem3A = arith.remsi %arg0, %jit3A : i32
    %ne3A_13 = arith.constant 0 : i32
    %ne3A_14 = arith.cmpi ne, %rem3A, %ne3A_13 : i32
    %and3A = arith.andi %ne3A, %ne3A_14 : i1
    %sub3A = arith.constant 1 : i32
    %sub3A_15 = arith.subi %div3A, %sub3A : i32
    %select_n3A = arith.select %and3A, %sub3A_15, %div3A : i32
    %c0_i32 = arith.constant 0 : i32
    %c0_i32_16 = arith.constant 0 : i32
    return %c0_i32, %select_n3A : i32, i32
  }
}

</mosaic_0001>

<sc_bundles>
// kernel: kernel.6.cloned.1.call-start
scs
__scs_entry_jumppad:
0x0: {  	(pc) =	sbr.rel $0x88, $3  }
0x1: {  	(tag) =	ssettag $0x0;
	lr =	simm.s32 $0x1  }
0x2: {  	[smem:$0x3F9E] =	sst lr;
	_ =	strace $0xD0000000  }
0x3: {  	_ = 	snop  }
0x4: {  	_ = 	snop  }
0x5: {  	_ = 	snop  }
0x6: {  	_ = 	snop  }
0x7: {  	_ = 	snop  }
__scs_overlays_trampoline_lowered:
0x8: {  	[smem:$0x3FAD] =	sst s0  }
0x9: {  	[smem:$0x3FAE] =	sst s1  }
0xa: {  	[smem:$0x3FAF] =	sst s2  }
0xb: {  	[smem:$0x3FB0] =	sst s3  }
0xc: {  	[smem:$0x3FB1] =	sst s4  }
0xd: {  	[smem:$0x3FB2] =	sst s5  }
0xe: {  	[smem:$0x3FB3] =	sst s6  }
0xf: {  	[smem:$0x3FB4] =	sst s7  }
0x10: {  	[smem:$0x3FB5] =	sst s8  }
0x11: {  	[smem:$0x3FB6] =	sst s9;
	s0 =	simm.s32 @!p0 $0x0  }
0x12: {  	s1 =	sld [smem:$0x3F9C];
	s0 =	simm.s32 @p0 $0x1  }
0x13: {  	[smem:$0x3FB7] =	sst s0;
	s0 =	simm.s32 @!p1 $0x0  }
0x14: {  	s2 =	sld [smem:$0x3F9B];
	s0 =	simm.s32 @p1 $0x1  }
0x15: {  	[smem:$0x3FB8] =	sst s0;
	s0 =	simm.s32 @!p2 $0x0  }
0x16: {  	s3 =	sld [smem:$0x3FDB];
	s0 =	simm.s32 @p2 $0x1  }
0x17: {  	s4 =	simm.s32 $0x1BF5;
	[smem:$0x3FBA] =	sst s0  }
0x18: {  	s0 =	sld [smem:$0x3F9D];
	_ =	swait.ge [sflag:s4], $0x0  }
0x19: {  	s7 =	sld [smem:$0x3F9E]  }
0x1a: {  	s8 =	sadd.s32 $0xFFFFE003, lr  }
0x1b: {  	s9 =	sadd.s32 $0xFFFFFEF7, lr;
	s5 =	simm.s32 $0xFFFFFFFF;
	p2 =	slt.u32 s8, $0xFFFFF086  }
0x1c: {  	p1 =	slt.u32 s9, $0xF7A;
	s5 =	simm.s32 @!p2 $0x0  }
0x1d: {  	s5 =	simm.s32 @p1 $0x1;
	p0 =	seq.s32 s7, s2  }
0x1e: {  	s7 =	smul.u32 @!p0 $0xF7A, s2;
	p2 =	seq.s32 @!p0 s5, $0x0  }
0x1f: {  	s9 =	smul.u32 $0xF7A, s1;
	s8 =	simm.s32 @!p0 $0x1BF5;
	p2 =	por !p2, p0  }
0x20: {  	[sflag:s8] =	ssyncset.s32 @!p0 $0xFFFFF086;
	s6 =	sadd.s32 @!p0 s3, s7;
	s7 =	simm.s32 @!p0 $0x108  }
0x21: {  	s3 =	sadd.s32 s3, s9;
	s6 =	sadd.s32 @!p0 $0x88, s6;
	s7 =	simm.s32 @p2 $0x1082  }
0x22: {  	[simem:s7], [sflag:s8] =	dma.local @!p0 [hbm:s6], $0xF7A  }
0x23: {  	s9 =	sor.u32 $0xD0000000, s2;
	s6 =	simm.s32 $0x108;
	_ =	swait.ge @!p0 [sflag:s8], $0x0  }
0x24: {  	s3 =	sadd.s32 $0x88, s3;
	s6 =	simm.s32 @!p1 $0x1082;
	[sflag:s4] =	ssyncset.s32 $0xFFFFF086  }
0x25: {  	[simem:s6], [sflag:s4] =	dma.local [hbm:s3], $0xF7A  }
0x26: {  	[smem:$0x3F9E] =	sst s1;
	(tag) =	ssettag s2;
	_ =	strace s9  }
0x27: {  	s1 =	sld [smem:$0x3FAE]  }
0x28: {  	s2 =	sld [smem:$0x3FAF]  }
0x29: {  	s4 =	sld [smem:$0x3FB1]  }
0x2a: {  	p0 =	seq.s32 s5, $0x0;
	s5 =	sld [smem:$0x3FB2]  }
0x2b: {  	s6 =	sld [smem:$0x3FB3]  }
0x2c: {  	s7 =	sld [smem:$0x3FB4]  }
0x2d: {  	s3 =	simm.s32 $0x108;
	s8 =	sld [smem:$0x3FB5]  }
0x2e: {  	s3 =	simm.s32 @!p0 $0x1082;
	s9 =	sld [smem:$0x3FB6]  }
0x2f: {  	lr =	sadd.s32 s0, s3;
	s0 =	sld [smem:$0x3FAD]  }
0x30: {  	s3 =	sld [smem:$0x3FB0]  }
0x31: {  	[smem:$0x3FB9] =	sst s10  }
0x32: {  	s10 =	sld [smem:$0x3FB7];
	_ =	sdelay $0x3  }
0x33: {  	p0 =	seq.s32 s10, $0x1;
	s10 =	sld [smem:$0x3FB9];
	_ =	sdelay $0x3  }
0x34: {  	[smem:$0x3FB9] =	sst s10  }
0x35: {  	s10 =	sld [smem:$0x3FB8];
	_ =	sdelay $0x3  }
0x36: {  	p1 =	seq.s32 s10, $0x1;
	s10 =	sld [smem:$0x3FB9];
	_ =	sdelay $0x3  }
0x37: {  	[smem:$0x3FB9] =	sst s10  }
0x38: {  	s10 =	sld [smem:$0x3FBA]  }
0x39: {  	_ = 	snop;
	(pc) =	sbr.ind lr, $3  }
0x3a: {  	_ = 	snop  }
0x3b: {  	_ = 	snop  }
0x3c: {  	p2 =	seq.s32 s10, $0x1;
	s10 =	sld [smem:$0x3FB9]  }
0x3d: {  	_ =	shalt  }
0x3e: {  	_ =	shalt  }
0x3f: {  	_ =	shalt  }
0x40: {  	_ =	shalt  }
0x41: {  	_ =	shalt  }
0x42: {  	_ =	shalt  }
0x43: {  	_ =	shalt  }
0x44: {  	_ =	shalt  }
0x45: {  	_ =	shalt  }
0x46: {  	_ =	shalt  }
0x47: {  	_ =	shalt  }
0x48: {  	_ =	shalt  }
0x49: {  	_ =	shalt  }
0x4a: {  	_ =	shalt  }
0x4b: {  	_ =	shalt  }
0x4c: {  	_ =	shalt  }
0x4d: {  	_ =	shalt  }
0x4e: {  	_ =	shalt  }
0x4f: {  	_ =	shalt  }
0x50: {  	_ =	shalt  }
0x51: {  	_ =	shalt  }
0x52: {  	_ =	shalt  }
0x53: {  	_ =	shalt  }
0x54: {  	_ =	shalt  }
0x55: {  	_ =	shalt  }
0x56: {  	_ =	shalt  }
0x57: {  	_ =	shalt  }
0x58: {  	_ =	shalt  }
0x59: {  	_ =	shalt  }
0x5a: {  	_ =	shalt  }
0x5b: {  	_ =	shalt  }
0x5c: {  	_ =	shalt  }
0x5d: {  	_ =	shalt  }
0x5e: {  	_ =	shalt  }
0x5f: {  	_ =	shalt  }
0x60: {  	_ =	shalt  }
0x61: {  	_ =	shalt  }
0x62: {  	_ =	shalt  }
0x63: {  	_ =	shalt  }
0x64: {  	_ =	shalt  }
0x65: {  	_ =	shalt  }
0x66: {  	_ =	shalt  }
0x67: {  	_ =	shalt  }
0x68: {  	_ =	shalt  }
0x69: {  	_ =	shalt  }
0x6a: {  	_ =	shalt  }
0x6b: {  	_ =	shalt  }
0x6c: {  	_ =	shalt  }
0x6d: {  	_ =	shalt  }
0x6e: {  	_ =	shalt  }
0x6f: {  	_ =	shalt  }
0x70: {  	_ =	shalt  }
0x71: {  	_ =	shalt  }
0x72: {  	_ =	shalt  }
0x73: {  	_ =	shalt  }
0x74: {  	_ =	shalt  }
0x75: {  	_ =	shalt  }
0x76: {  	_ =	shalt  }
0x77: {  	_ =	shalt  }
0x78: {  	_ =	shalt  }
0x79: {  	_ =	shalt  }
0x7a: {  	_ =	shalt  }
0x7b: {  	_ =	shalt  }
0x7c: {  	_ =	shalt  }
0x7d: {  	_ =	shalt  }
0x7e: {  	_ =	shalt  }
0x7f: {  	_ =	shalt  }
0x80: {  	_ =	shalt  }
0x81: {  	_ =	shalt  }
0x82: {  	_ =	shalt  }
0x83: {  	_ =	shalt  }
0x84: {  	_ =	shalt  }
0x85: {  	_ =	shalt  }
0x86: {  	_ =	shalt  }
0x87: {  	_ =	shalt  }
.Lfunc_end0:
.L_simem_size_0:
called_computation_lowered:
.L_overlay_start_0:
0x88: {  	s2 =	sld [smem:$0x3FD9]  }
0x89: {  	s3 =	sld [smem:$0x3FFE];
	_ =	sdelay $0x1  }
0x8a: {  	s1 =	srdreg.scid  }
0x8b: {  	s0 =	sand.u32 $0x1, s1  }
0x8c: {  	s14 =	sshll.u32 s0, $0xA;
	s2 =	sadd.s32 s3, s2  }
0x8d: {  	s2 =	sadd.s32 s2, s14  }
0x8e: {  	[smem:$0x3FC5] =	sst s2  }
0x8f: {  	_ = 	snop  }
0x90: {  	s2 =	sld [smem:$0x3FD0];
	_ =	sdelay $0x2  }
0x91: {  	s15 =	simm.s32 $0xA;
	s4 =	simm.s32 $0x10  }
0x92: {  	[smem:s4], [sflag:s15] =	dma.local [hbm:s2], $0x1  }
0x93: {  	_ =	swait.eq [sflag:s15], $0x1  }
0x94: {  	[sflag:s15] =	ssyncset.done $0x0  }
0x95: {  	[sflag:s15] =	ssyncadd.s32 $0xFFFFFFFF  }
0x96: {  	s16 =	sld [smem:$0x11];
	(tm) =	ssettm $0x1  }
0x97: {  	s17 =	sld [smem:$0x3FFB];
	_ =	sdelay $0x3  }
0x98: {  	_ =	strace s17  }
0x99: {  	s3 =	sld [smem:$0x3FFC];
	_ =	sdelay $0x3  }
0x9a: {  	_ =	strace s3  }
0x9b: {  	s3 =	sld [smem:$0x3FFD];
	_ =	sdelay $0x3  }
0x9c: {  	_ =	strace s3  }
0x9d: {  	_ =	strace $0x8FFFFFFF  }
0x9e: {  	s18 =	sld [smem:$0x3FDB];
	_ =	sdelay $0x1  }
0x9f: {  	s19 =	simm.s32 $_scs_section_size  }
0xa0: {  	s5 =	simm.s32 $_size__tile_overlayer_lowered;
	s6 =	simm.s32 $_tile_overlayer_lowered  }
0xa1: {  	s22 =	simm.s32 $0x1BFF;
	s21 =	sshll.u32 s6, $0x1;
	s3 =	sadd.s32 s19, s18  }
0xa2: {  	s7 =	simm.s32 $0x0;
	s20 =	sshll.u32 s5, $0x1;
	s5 =	sadd.s32 s21, s3  }
0xa3: {  	[timem:s7], [sflag:s22] =	dma.local [hbm:s5], s20  }
0xa4: {  	_ =	swait.ge [sflag:s22], s20  }
0xa5: {  	s4 =	ssub.s32 $0x0, s20;
	[sflag:s22] =	ssyncset.done $0x0  }
0xa6: {  	[sflag:s22] =	ssyncadd.s32 s4;
	_ =	sdelay $0x1  }
0xa7: {  	s23 =	simm.s32 $0x1B8B  }
0xa8: {  	_ =	swait.ge [sflag:s23], $0x1  }
0xa9: {  	[sflag:s23] =	ssyncset.done $0x0  }
0xaa: {  	s25 =	simm.s32 $0x1B8E;
	s24 =	sld [smem:$0x3FFE];
	[sflag:s23] =	ssyncadd.s32 $0xFFFFFFFF  }
0xab: {  	s26 =	simm.s32 $execute0_lowered;
	[smem:$0x3FD2] =	sst s25  }
0xac: {  	s5 =	sshll.u32 s26, $0x1;
	_ =	strace $0x80000046;
	[dreg:$0x1] =	wrdreg $0xFFFFFFFF  }
0xad: {  	s28 =	simm.s32 $_size_execute0_lowered;
	s3 =	sadd.s32 s3, s5;
	[dreg:$0x0] =	wrdreg $0x0  }
0xae: {  	s5 =	sshll.u32 s28, $0x1;
	[dreg:$0x2] =	wrdreg s3  }
0xaf: {  	[dreg:$0x3] =	wrdreg s5  }
0xb0: {  	[dreg:$0x4] =	wrdreg $0xC0  }
0xb1: {  	_ =	task [dreg:s7], $0x5FFFF  }
0xb2: {  	[dreg:$0x1] =	wrdreg $0xFFFFFFFF  }
0xb3: {  	[dreg:$0x0] =	wrdreg $0x60  }
0xb4: {  	[dreg:$0x2] =	wrdreg s24  }
0xb5: {  	[dreg:$0x3] =	wrdreg s16  }
0xb6: {  	[dreg:$0x4] =	wrdreg $0x9  }
0xb7: {  	_ =	task.clear_ibuf [dreg:s7], $0x5FFFF;
	_ =	strace $0x90000046  }
0xb8: {  	s29 =	simm.s32 $0x9;
	_ =	strace $0x80000048  }
0xb9: {  	_ =	swait.ge [sflag:s29], $0x1  }
0xba: {  	[sflag:s29] =	ssyncadd.s32 $0xFFFFFFFF  }
0xbb: {  	_ =	strace $0x90000048  }
0xbc: {  	_ =	sfence  }
0xbd: {  	s30 =	sld [smem:$0x0];
	_ =	sdelay $0x2  }
0xbe: {  	s31 =	sshll.u32 s1, $0xD;
	s1 =	sshrl.u32 s1, $0x2  }
0xbf: {  	s3 =	sand.u32 $0x4000, s31;
	s1 =	sadd.s32 s1, s30  }
0xc0: {  	s0 =	sor.u32 s3, s0;
	s1 =	sshll.u32 s1, $0x11  }
0xc1: {  	s0 =	sor.u32 s1, s0  }
0xc2: {  	s0 =	sadd.s32 $0x8F2B, s0  }
0xc3: {  	[sflag:s0] =	ssyncadd.remote.s32 $0x1  }
0xc4: {  	_ =	sfence.sel $0xFFFF  }
0xc5: {  	[dreg:$0x0] =	wrdreg $0xFFFFFFFF;
	(pc) =	sbr.abs _section_cstart, $3  }
0xc6: {  	[dreg:$0x1] =	wrdreg $0xFFFFFFFF  }
0xc7: {  	_ =	task.clear_ibuf [dreg:s7], $0x2FFFF;
	_ =	strace $0x9FFFFFFF  }
0xc8: {  	(tm) =	ssettm $0x7FFFFFFF  }
0xc9: {  	_ =	shalt  }
tec
execute0_lowered:
.L_overlay_start_1:
0x0: {  	(tag) =	ssettag $0x1  }
0x1: {  	s4 =	rddreg [dreg:$0x0]  }
0x2: {  	s5 =	rddreg [dreg:$0x1]  }
0x3: {  	s0 =	rddreg [dreg:$0x2];
	s3 =	srdreg.scid  }
0x4: {  	s2 =	simm.s32 $0x0;
	s1 =	stileid.u32;
	s10 =	simm.s32 $0x100  }
0x5: {  	s11 =	simm.s32 $0x1;
	s12 =	simm.s32 $0x900;
	s3 =	sand.u32 $0x1, s3  }
0x6: {  	[smem:$0x7FF] =	sst s2;
	s6 =	sshll.u32 s1, $0x4;
	s7 =	sshll.u32 s3, $0x3  }
0x7: {  	_ =	strace $0x80000047;
	s31 =	ssub.s32 $0x2, s3;
	s6 =	sor.u32 s7, s6  }
0x8: {  	s3 =	sadd.s32 $0x7A2400, s4;
	s9 =	sshrl.u32 s31, $0x1;
	s8 =	sshrl.u32 s6, $0x3  }
0x9: {  	v0 =	vimm.s32 $0x0;
	v1 =	vimm.s32 $0x1;
	s7 =	ssub.s32 s31, s9;
	s6 =	sshll.u32 s6, $0x4;
	s9 =	simm.s32 $0x80  }
0xa: {  	v2 =	vimm.s32 $0x2;
	v3 =	vimm.s32 $0x3;
	v4 =	vimm.s32 $0x4;
	s4 =	sadd.s32 s8, s4;
	s5 =	sadd.s32 s5, s6;
	s6 =	smax.u32 s7, $0x1  }
0xb: {  	v5 =	vimm.s32 $0x5;
	v6 =	vimm.s32 $0x6;
	v7 =	vimm.s32 $0x7;
	s7 =	simm.s32 $0x2;
	s8 =	simm.s32 $0x10;
	s4 =	sadd.s32 $0x1000, s4  }
.LBB2_1:
0xc: {  	[tilespmem:s2], [sflag:$0x2] =	stream.linear.gather [hbm4b:s4+s2], $0x8, $0x38;
	[tilespmem:$0xD00] =	vst v63  }
0xd: {  	_ =	swait.ge [sflag:s7], $0x8  }
0xe: {  	[sflag:s7] =	ssyncset.done $0x0  }
0xf: {  	[sflag:s7] =	ssyncadd.s32 $0xFFFFFFF8  }
0x10: {  	v8 =	vld [tilespmem:$0x0];
	_ =	sdelay $0x4  }
0x11: {  	vm0 =	vgt.s32 v8, $0x0  }
0x12: {  	v8 =	vnsel vm0, $0x0, v8  }
0x13: {  	v8 =	vmin.u32 v8, $0x7A11F  }
0x14: {  	v9 =	vshrl.u32 v8, $0x1  }
0x15: {  	[tilespmem:$0x80] =	vst v9  }
0x16: {  	[tilespmem:s10], [sflag:$0x1] =	stream.indirect.gather [hbm4b:s3+s8], $0x80, s9, s8, $0xb8;
	[tilespmem:$0xD00] =	vst v63  }
0x17: {  	_ =	swait.ge [sflag:s11], $0x800  }
0x18: {  	[sflag:s11] =	ssyncset.done $0x0  }
0x19: {  	[sflag:s11] =	ssyncadd.s32 $0xFFFFF800  }
0x1a: {  	v58 =	vld [tilespmem:$0x100]  }
0x1b: {  	v10 =	vld [tilespmem:$0x140]  }
0x1c: {  	v11 =	vld [tilespmem:$0x110]  }
0x1d: {  	v12 =	vld [tilespmem:$0x150]  }
0x1e: {  	v13 =	vld [tilespmem:$0x120]  }
0x1f: {  	v14 =	vld [tilespmem:$0x160]  }
0x20: {  	v15 =	vld [tilespmem:$0x130]  }
0x21: {  	v16 =	vld [tilespmem:$0x170]  }
0x22: {  	v17 =	vld [tilespmem:$0x180]  }
0x23: {  	v18 =	vld [tilespmem:$0x1C0]  }
0x24: {  	v19 =	vld [tilespmem:$0x190]  }
0x25: {  	v20 =	vld [tilespmem:$0x1D0]  }
0x26: {  	v21 =	vld [tilespmem:$0x1A0]  }
0x27: {  	v22 =	vld [tilespmem:$0x1E0]  }
0x28: {  	v23 =	vld [tilespmem:$0x1B0]  }
0x29: {  	v24 =	vld [tilespmem:$0x1F0]  }
0x2a: {  	v25 =	vld [tilespmem:$0x200]  }
0x2b: {  	v26 =	vld [tilespmem:$0x240]  }
0x2c: {  	v27 =	vld [tilespmem:$0x210]  }
0x2d: {  	v28 =	vld [tilespmem:$0x250]  }
0x2e: {  	v29 =	vld [tilespmem:$0x220]  }
0x2f: {  	v30 =	vld [tilespmem:$0x260]  }
0x30: {  	v31 =	vld [tilespmem:$0x230]  }
0x31: {  	v8 =	vand.u32 $0x1, v8;
	v32 =	vld [tilespmem:$0x270]  }
0x32: {  	v33 =	vperm.xlane v8, v0;
	v34 =	vld [tilespmem:$0x280]  }
0x33: {  	v35 =	vld [tilespmem:$0x2C0]  }
0x34: {  	v33 =	vcvt.s32.f32 v33;
	v36 =	vld [tilespmem:$0x290]  }
0x35: {  	v40 =	vperm.xlane v8, v1;
	v37 =	vld [tilespmem:$0x2D0]  }
0x36: {  	v61 =	vperm.xlane v8, v2;
	v38 =	vsub.f32 $1.000000000e+00, v33;
	v39 =	vld [tilespmem:$0x2A0]  }
0x37: {  	v53 =	vperm.xlane v8, v3;
	v40 =	vcvt.s32.f32 v40;
	v41 =	vld [tilespmem:$0x2E0]  }
0x38: {  	v42 =	vld [tilespmem:$0x2B0];
	v9 =	vmul.f32 v38, v58;
	v10 =	vmul.f32 v33, v10  }
0x39: {  	v43 =	vld [tilespmem:$0x2F0];
	v11 =	vmul.f32 v11, v38;
	v12 =	vmul.f32 v33, v12  }
0x3a: {  	v59 =	vsub.f32 $1.000000000e+00, v40;
	v44 =	vld [tilespmem:$0x300];
	v13 =	vmul.f32 v13, v38;
	v14 =	vmul.f32 v33, v14  }
0x3b: {  	v45 =	vld [tilespmem:$0x340];
	v15 =	vmul.f32 v15, v38;
	v60 =	vmul.f32 v33, v16  }
0x3c: {  	v46 =	vld [tilespmem:$0x330];
	v62 =	vmul.f32 v59, v17;
	v63 =	vmul.f32 v40, v18  }
0x3d: {  	v33 =	vld [tilespmem:$0x310];
	v48 =	vmul.f32 v19, v59;
	v16 =	vcvt.s32.f32 v61  }
0x3e: {  	v18 =	vld [tilespmem:$0x350];
	v49 =	vmul.f32 v40, v20;
	v50 =	vmul.f32 v21, v59  }
0x3f: {  	v19 =	vld [tilespmem:$0x320];
	v22 =	vmul.f32 v40, v22;
	v23 =	vmul.f32 v23, v59;
	v9 =	vadd.f32 v10, v9  }
0x40: {  	v21 =	vld [tilespmem:$0x360];
	v52 =	vmul.f32 v40, v24;
	v11 =	vadd.f32 v12, v11;
	v13 =	vadd.f32 v14, v13  }
0x41: {  	v40 =	vld [tilespmem:$0x370];
	v10 =	vadd.f32 v60, v15;
	v51 =	vsub.f32 $1.000000000e+00, v16;
	v55 =	vmul.f32 v16, v26  }
0x42: {  	v24 =	vld [tilespmem:$0x3C0];
	v56 =	vadd.f32 v22, v50;
	v22 =	vcvt.s32.f32 v53;
	v59 =	vmul.f32 v16, v28  }
0x43: {  	v12 =	vadd.f32 v63, v62;
	v26 =	vld [tilespmem:$0x380];
	v61 =	vmul.f32 v16, v30;
	v47 =	vmul.f32 v16, v32;
	[tilespmem:$0x900] =	vst v9  }
0x44: {  	v14 =	vadd.f32 v49, v48;
	v30 =	vld [tilespmem:$0x3D0];
	v48 =	vperm.xlane v8, v4;
	v54 =	vmul.f32 v51, v25;
	[tilespmem:$0x910] =	vst v11  }
0x45: {  	v58 =	vadd.f32 v52, v23;
	v23 =	vld [tilespmem:$0x3B0];
	v57 =	vmul.f32 v27, v51;
	v60 =	vmul.f32 v29, v51;
	[tilespmem:$0x920] =	vst v13  }
0x46: {  	v32 =	vld [tilespmem:$0x3F0];
	v62 =	vmul.f32 v31, v51;
	v63 =	vsub.f32 $1.000000000e+00, v22;
	[tilespmem:$0x930] =	vst v10;
	v51 =	vmul.f32 v22, v35  }
0x47: {  	v28 =	vld [tilespmem:$0x450];
	v16 =	vcvt.s32.f32 v48;
	[tilespmem:$0x9A0] =	vst v56;
	v56 =	vmul.f32 v22, v41;
	v38 =	vadd.f32 v55, v54  }
0x48: {  	v27 =	vld [tilespmem:$0x390];
	[tilespmem:$0x980] =	vst v12;
	v49 =	vadd.f32 v59, v57;
	v50 =	vmul.f32 v63, v34;
	v52 =	vmul.f32 v36, v63  }
0x49: {  	v25 =	vld [tilespmem:$0x3A0];
	[tilespmem:$0x990] =	vst v14;
	v13 =	vadd.f32 v61, v60;
	v54 =	vmul.f32 v22, v37;
	v55 =	vmul.f32 v39, v63  }
0x4a: {  	v31 =	vld [tilespmem:$0x3E0];
	[tilespmem:$0x9B0] =	vst v58;
	v53 =	vadd.f32 v47, v62;
	v29 =	vmul.f32 v42, v63;
	v59 =	vmul.f32 v22, v43  }
0x4b: {  	v35 =	vld [tilespmem:$0x400];
	v57 =	vsub.f32 $1.000000000e+00, v16;
	v60 =	vperm.xlane v8, v5;
	v63 =	vmul.f32 v16, v45;
	[tilespmem:$0xA00] =	vst v38  }
0x4c: {  	v22 =	vld [tilespmem:$0x440];
	v43 =	vmul.f32 v16, v18;
	v45 =	vmul.f32 v16, v21;
	v58 =	vadd.f32 v51, v50;
	[tilespmem:$0xA10] =	vst v49  }
0x4d: {  	v36 =	vld [tilespmem:$0x410];
	v61 =	vadd.f32 v54, v52;
	v62 =	vmul.f32 v57, v44;
	[tilespmem:$0xA20] =	vst v13;
	v41 =	vmul.f32 v33, v57  }
0x4e: {  	v34 =	vld [tilespmem:$0x4D0];
	v11 =	vadd.f32 v56, v55;
	v20 =	vcvt.s32.f32 v60;
	[tilespmem:$0xA30] =	vst v53;
	v44 =	vmul.f32 v19, v57  }
0x4f: {  	v39 =	vld [tilespmem:$0x4A0];
	v42 =	vadd.f32 v59, v29;
	v46 =	vmul.f32 v46, v57;
	v50 =	vperm.xlane v8, v6;
	[tilespmem:$0xA80] =	vst v58  }
0x50: {  	v19 =	vld [tilespmem:$0x420];
	v49 =	vmul.f32 v16, v40;
	v8 =	vperm.xlane v8, v7;
	v47 =	vsub.f32 $1.000000000e+00, v20;
	[tilespmem:$0xA90] =	vst v61  }
0x51: {  	v33 =	vld [tilespmem:$0x460];
	v48 =	vadd.f32 v63, v62;
	[tilespmem:$0xAA0] =	vst v11;
	v53 =	vmul.f32 v20, v24;
	v15 =	vcvt.s32.f32 v50  }
0x52: {  	v16 =	vld [tilespmem:$0x430];
	v51 =	vadd.f32 v43, v41;
	[tilespmem:$0xAB0] =	vst v42;
	v59 =	vmul.f32 v20, v30;
	v62 =	vmul.f32 v20, v31  }
0x53: {  	v54 =	vld [tilespmem:$0x470];
	v55 =	vadd.f32 v45, v44;
	v32 =	vmul.f32 v20, v32;
	v52 =	vmul.f32 v47, v26;
	[tilespmem:$0xB00] =	vst v48  }
0x54: {  	v57 =	vld [tilespmem:$0x480];
	v58 =	vadd.f32 v49, v46;
	v8 =	vcvt.s32.f32 v8;
	v56 =	vmul.f32 v27, v47;
	[tilespmem:$0xB10] =	vst v51  }
0x55: {  	v61 =	vld [tilespmem:$0x4C0];
	v60 =	vmul.f32 v25, v47;
	v63 =	vsub.f32 $1.000000000e+00, v15;
	[tilespmem:$0xB20] =	vst v55;
	v31 =	vadd.f32 v53, v52  }
0x56: {  	v30 =	vld [tilespmem:$0x490];
	v23 =	vmul.f32 v23, v47;
	[tilespmem:$0xB30] =	vst v58;
	v38 =	vmul.f32 v15, v22;
	v10 =	vadd.f32 v59, v56  }
0x57: {  	v42 =	vld [tilespmem:$0x4E0];
	v45 =	vmul.f32 v15, v28;
	v37 =	vmul.f32 v63, v35;
	v40 =	vadd.f32 v62, v60;
	[tilespmem:$0xB80] =	vst v31  }
0x58: {  	v46 =	vld [tilespmem:$0x4B0];
	v49 =	vsub.f32 $1.000000000e+00, v8;
	v41 =	vadd.f32 v32, v23;
	v44 =	vmul.f32 v36, v63;
	[tilespmem:$0xB90] =	vst v10  }
0x59: {  	v50 =	vld [tilespmem:$0x4F0];
	v48 =	vmul.f32 v15, v33;
	v47 =	vmul.f32 v19, v63;
	v43 =	vadd.f32 v38, v37;
	[tilespmem:$0xBA0] =	vst v40  }
0x5a: {  	v52 =	vmul.f32 v16, v63;
	v53 =	vmul.f32 v15, v54;
	[tilespmem:$0xBB0] =	vst v41;
	v51 =	vadd.f32 v45, v44  }
0x5b: {  	v54 =	vmul.f32 v49, v57;
	v55 =	vmul.f32 v8, v61;
	v9 =	vadd.f32 v48, v47;
	[tilespmem:$0xC00] =	vst v43  }
0x5c: {  	v58 =	vmul.f32 v8, v34;
	v57 =	vmul.f32 v30, v49;
	v56 =	vadd.f32 v53, v52;
	[tilespmem:$0xC10] =	vst v51  }
0x5d: {  	v60 =	vmul.f32 v39, v49;
	v13 =	vmul.f32 v8, v42;
	v59 =	vadd.f32 v55, v54;
	[tilespmem:$0xC20] =	vst v9  }
0x5e: {  	v62 =	vmul.f32 v46, v49;
	v8 =	vmul.f32 v8, v50;
	v61 =	vadd.f32 v58, v57;
	[tilespmem:$0xC30] =	vst v56  }
0x5f: {  	v63 =	vadd.f32 v13, v60;
	[tilespmem:$0xC80] =	vst v59  }
0x60: {  	v8 =	vadd.f32 v8, v62;
	[tilespmem:$0xC90] =	vst v61  }
0x61: {  	p0 =	sne.s32 s6, $0x1;
	[tilespmem:$0xCA0] =	vst v63  }
.Ltmp0:
0x62: {  	[tilespmem:$0xCB0] =	vst v8;
	(pc) =	sbr.rel @p0 .LBB2_1-.Ltmp0, $4  }
0x63: {  	[hbm4b:s5+s2] =	stream.linear.scatter [tilespmem:s12], [sflag:$0x2], $0x400, $0x38;
	[tilespmem:$0xD00] =	vst v63  }
0x64: {  	_ =	swait.ge [sflag:s7], $0x400  }
0x65: {  	[sflag:s7] =	ssyncset.done $0x0  }
0x66: {  	s6 =	sadd.s32 $0xFFFFFFFF, s6;
	[sflag:s7] =	ssyncadd.s32 $0xFFFFFC00  }
0x67: {  	_ =	sfence.sel $0x180000  }
0x68: {  	[bflag:$0x0] =	sbarrier.arrive $0xFFFF  }
0x69: {  	p0 =	sne.s32 s1, $0x0;
	_ =	strace $0x90000047  }
0x6a: {  	s0 =	sadd.s32 @!p0 $0x100000, s0;
	[bflag:$0x2] =	sbarrier.arrive $0xFFFF  }
0x6b: {  	[sflag:s0] =	ssyncadd.tile.s32 @!p0 $0x1;
	_ =	shalt  }
.Lfunc_end2:
_tile_overlayer_lowered:
.L_overlay_start_2:
0x6c: {  	(tag) =	ssettag $0x2  }
0x6d: {  	s0 =	rddreg [dreg:$0x0];
	s2 =	stileid.u32  }
0x6e: {  	s1 =	rddreg [dreg:$0x1];
	p0 =	sne.s32 s2, $0x0  }
0x6f: {  	s3 =	rddreg [dreg:$0x2];
	[bflag:$0x3] =	sbarrier.arrive $0xFFFF;
	s2 =	simm.s32 @!p0 $0x1C02  }
0x70: {  	[timem:s3], [sflag:s2] =	dma.local @!p0 [hbm:s0], s1  }
0x71: {  	s0 =	simm.s32 @!p0 $0x2  }
0x72: {  	_ =	swait.ge @!p0 [sflag:s0], s1  }
0x73: {  	s1 =	ssub.s32 @!p0 $0x0, s1;
	[sflag:s0] =	ssyncset.done @!p0 $0x0  }
0x74: {  	[sflag:s0] =	ssyncadd.s32 @!p0 s1  }
0x75: {  	[bflag:$0x3] =	sbarrier.arrive $0xFFFF  }
0x76: {  	_ =	shalt  }

</sc_bundles>
